<compile_context>
chip_gen: v7x
topology: tpu7x:2x2x1
jax: 0.10.2.dev20260603
libtpu: 0.0.44.dev20260713+nightly
codegen_flags: <defaults>
</compile_context>

<pallas_src>
import functools

import jax
import jax.numpy as jnp
from jax import lax
from jax.experimental import pallas as pl
from jax.experimental.pallas import tpu as pltpu
from jax.experimental.pallas import tpu_sc as plsc

_NC = 2
_NS = 16
_NW = _NC * _NS
_G = 128
_NBUF = 8


@functools.lru_cache(maxsize=None)
def _emb_call(ngroups: int, D: int):
    mesh = plsc.VectorSubcoreMesh(core_axis_name="c", subcore_axis_name="s")

    @functools.partial(
        pl.kernel,
        mesh=mesh,
        out_type=jax.ShapeDtypeStruct((_NW, ngroups, _G, D), jnp.float32),
        scratch_types=(
            [pltpu.VMEM((ngroups, _G), jnp.int32)]
            + [pltpu.VMEM((_G, D), jnp.float32) for _ in range(_NBUF)]
            + [pltpu.SemaphoreType.DMA for _ in range(2 * _NBUF)]
        ),
        compiler_params=pltpu.CompilerParams(use_tc_tiling_on_sc=False),
    )
    def run(table, ids, out, idx_v, *rest):
        bufs = rest[:_NBUF]
        gsem = rest[_NBUF:2 * _NBUF]
        osem = rest[2 * _NBUF:]
        wid = lax.axis_index("s") * _NC + lax.axis_index("c")

        pltpu.sync_copy(ids.at[wid], idx_v)

        for b in range(_NBUF):
            pltpu.async_copy(table.at[idx_v.at[b]], bufs[b], gsem[b])

        nj = ngroups // _NBUF

        def step(j, carry):
            for b in range(_NBUF):
                g = j * _NBUF + b
                pltpu.make_async_copy(table.at[idx_v.at[g]], bufs[b], gsem[b]).wait()
                pltpu.async_copy(bufs[b], out.at[wid, g], osem[b])

                @pl.when(j < nj - 1)
                def _():
                    pltpu.make_async_copy(bufs[b], out.at[wid, g], osem[b]).wait()
                    pltpu.async_copy(table.at[idx_v.at[g + _NBUF]], bufs[b], gsem[b])

            return carry

        lax.fori_loop(0, nj, step, 0)

        for b in range(_NBUF):
            g = (nj - 1) * _NBUF + b
            pltpu.make_async_copy(bufs[b], out.at[wid, g], osem[b]).wait()

    return run


def kernel(token_ids, W):
    B, S = token_ids.shape
    V, D = W.shape
    total = B * S
    assert total % (_NW * _G) == 0
    ngroups = total // (_NW * _G)
    ids = token_ids.reshape(_NW, ngroups, _G).astype(jnp.int32)
    out = _emb_call(ngroups, D)(W, ids)
    return out.reshape(B, S, D)

# --- scband reference (transcript-rebuilt; emitter-appended) ---
"""Pipeline reference for scband-embedding-25975962206267 (READ-ONLY COPY).

The authoritative reference and input builder live on the scoring server;
editing this copy changes nothing except your own understanding.
"""

import jax, jax.numpy as jnp
import numpy as np

NUM_EMBEDDINGS = 1000000
EMBEDDING_DIM = 64

def setup_inputs(seed: int = 0) -> dict:
    key = jax.random.key(seed)
    k1, k2 = jax.random.split(key)
    token_ids = jax.random.randint(k1, (16384, 50), 0, NUM_EMBEDDINGS, dtype=jnp.int64 if jax.config.jax_enable_x64 else jnp.int32)
    # trunc_normal_(mean=0, std=1, a=-3, b=3)
    W = jnp.clip(jax.random.normal(k2, (NUM_EMBEDDINGS, EMBEDDING_DIM), dtype=jnp.float32), -3.0, 3.0)
    return {"token_ids": token_ids, "W": W}

def reference(token_ids, W):
    # Faithful translation of Embedding.forward: W[token_ids]
    return jnp.take(W, token_ids, axis=0)

if __name__ == "__main__":
    import jax
    _d = setup_inputs()
    print(jax.jit(kernel)(*tuple(_d.values())))

</pallas_src>

<mosaic_0001>
#map = affine_map<(d0, d1) -> (0, 0)>
#map1 = affine_map<(d0, d1) -> (0, 0, 0)>
#map2 = affine_map<(d0, d1) -> (0, 0, 0, 0)>
module attributes {stable_mosaic.version = 14 : i64} {
  func.func @run(%arg0: i32, %arg1: i32, %arg2: memref<1000000x64xf32, #tpu.memory_space<hbm>>, %arg3: memref<32x200x128xi32, #tpu.memory_space<hbm>>, %arg4: memref<32x200x128x64xf32, #tpu.memory_space<hbm>>, %arg5: memref<200x128xi32, #tpu.memory_space<vmem>>, %arg6: memref<128x64xf32, #tpu.memory_space<vmem>>, %arg7: memref<128x64xf32, #tpu.memory_space<vmem>>, %arg8: memref<128x64xf32, #tpu.memory_space<vmem>>, %arg9: memref<128x64xf32, #tpu.memory_space<vmem>>, %arg10: memref<128x64xf32, #tpu.memory_space<vmem>>, %arg11: memref<128x64xf32, #tpu.memory_space<vmem>>, %arg12: memref<128x64xf32, #tpu.memory_space<vmem>>, %arg13: memref<128x64xf32, #tpu.memory_space<vmem>>, %arg14: memref<!tpu.dma_semaphore, #tpu.memory_space<semaphore_mem>>, %arg15: memref<!tpu.dma_semaphore, #tpu.memory_space<semaphore_mem>>, %arg16: memref<!tpu.dma_semaphore, #tpu.memory_space<semaphore_mem>>, %arg17: memref<!tpu.dma_semaphore, #tpu.memory_space<semaphore_mem>>, %arg18: memref<!tpu.dma_semaphore, #tpu.memory_space<semaphore_mem>>, %arg19: memref<!tpu.dma_semaphore, #tpu.memory_space<semaphore_mem>>, %arg20: memref<!tpu.dma_semaphore, #tpu.memory_space<semaphore_mem>>, %arg21: memref<!tpu.dma_semaphore, #tpu.memory_space<semaphore_mem>>, %arg22: memref<!tpu.dma_semaphore, #tpu.memory_space<semaphore_mem>>, %arg23: memref<!tpu.dma_semaphore, #tpu.memory_space<semaphore_mem>>, %arg24: memref<!tpu.dma_semaphore, #tpu.memory_space<semaphore_mem>>, %arg25: memref<!tpu.dma_semaphore, #tpu.memory_space<semaphore_mem>>, %arg26: memref<!tpu.dma_semaphore, #tpu.memory_space<semaphore_mem>>, %arg27: memref<!tpu.dma_semaphore, #tpu.memory_space<semaphore_mem>>, %arg28: memref<!tpu.dma_semaphore, #tpu.memory_space<semaphore_mem>>, %arg29: memref<!tpu.dma_semaphore, #tpu.memory_space<semaphore_mem>>) attributes {dimension_semantics = [#tpu.dimension_semantics<core_parallel>, #tpu.dimension_semantics<subcore_parallel>], iteration_bounds = array<i64: 2, 16>, scalar_prefetch = 0 : i64, scratch_operands = 25 : i64, tpu.core_type = #tpu.core_type<sc_vector_subcore>, window_params = [{transform_indices = #map}, {transform_indices = #map1}, {transform_indices = #map2}]} {
    %mul3A = arith.constant 2 : i32
    %mul3A_0 = arith.muli %arg1, %mul3A : i32
    %add3A = arith.addi %mul3A_0, %arg0 : i32
    "tpu.region"() ({
      %run_scoped3A = tpu.sem_alloc : memref<!tpu.dma_semaphore, #tpu.memory_space<semaphore_mem>>
      %dma_start3A_132 = arith.constant 0 : i32
      %dma_start3A_133 = arith.constant 0 : i32
      %dma_start3A_134 = tpu.memref_slice %arg3[%add3A, %dma_start3A_132, %dma_start3A_133] : memref<32x200x128xi32, #tpu.memory_space<hbm>> -> memref<1x200x128xi32, #tpu.memory_space<hbm>>
      %dma_start3A_135 = tpu.memref_squeeze %dma_start3A_134 : memref<1x200x128xi32, #tpu.memory_space<hbm>> -> memref<200x128xi32, #tpu.memory_space<hbm>>
      %dma_start3A_136 = arith.constant 0 : i32
      %dma_start3A_137 = arith.constant 0 : i32
      %dma_start3A_138 = tpu.memref_slice %arg3[%add3A, %dma_start3A_136, %dma_start3A_137] : memref<32x200x128xi32, #tpu.memory_space<hbm>> -> memref<1x200x128xi32, #tpu.memory_space<hbm>>
      %dma_start3A_139 = tpu.memref_squeeze %dma_start3A_138 : memref<1x200x128xi32, #tpu.memory_space<hbm>> -> memref<200x128xi32, #tpu.memory_space<hbm>>
      tpu.enqueue_dma source(%dma_start3A_139 : memref<200x128xi32, #tpu.memory_space<hbm>>) target(%arg5 : memref<200x128xi32, #tpu.memory_space<vmem>>) target_semaphore(%run_scoped3A : memref<!tpu.dma_semaphore, #tpu.memory_space<semaphore_mem>>)
      %dma_wait3A_140 = arith.constant 0 : i32
      %dma_wait3A_141 = arith.constant 0 : i32
      %dma_wait3A_142 = tpu.memref_slice %arg3[%add3A, %dma_wait3A_140, %dma_wait3A_141] : memref<32x200x128xi32, #tpu.memory_space<hbm>> -> memref<1x200x128xi32, #tpu.memory_space<hbm>>
      %dma_wait3A_143 = tpu.memref_squeeze %dma_wait3A_142 : memref<1x200x128xi32, #tpu.memory_space<hbm>> -> memref<200x128xi32, #tpu.memory_space<hbm>>
      %dma_wait3A_144 = arith.constant 0 : i32
      %dma_wait3A_145 = arith.constant 0 : i32
      %dma_wait3A_146 = tpu.memref_slice %arg3[%add3A, %dma_wait3A_144, %dma_wait3A_145] : memref<32x200x128xi32, #tpu.memory_space<hbm>> -> memref<1x200x128xi32, #tpu.memory_space<hbm>>
      %dma_wait3A_147 = tpu.memref_squeeze %dma_wait3A_146 : memref<1x200x128xi32, #tpu.memory_space<hbm>> -> memref<200x128xi32, #tpu.memory_space<hbm>>
      tpu.wait_dma2 semaphore(%run_scoped3A : memref<!tpu.dma_semaphore, #tpu.memory_space<semaphore_mem>>) src(%dma_wait3A_147 : memref<200x128xi32, #tpu.memory_space<hbm>>) dst(%arg5 : memref<200x128xi32, #tpu.memory_space<vmem>>)
      tpu.yield
    }) : () -> ()
    %dma_start3A = arith.constant 0 : i32
    %dma_start3A_1 = arith.constant 0 : i32
    %dma_start3A_2 = tpu.memref_slice %arg5[%dma_start3A, %dma_start3A_1] : memref<200x128xi32, #tpu.memory_space<vmem>> -> memref<1x128xi32, #tpu.memory_space<vmem>>
    %dma_start3A_3 = tpu.memref_squeeze %dma_start3A_2 : memref<1x128xi32, #tpu.memory_space<vmem>> -> memref<128xi32, #tpu.memory_space<vmem>>
    %dma_start3A_4 = arith.constant 0 : i32
    %dma_start3A_5 = arith.constant 0 : i32
    %dma_start3A_6 = tpu.memref_slice %arg2[%dma_start3A_4, %dma_start3A_5] : memref<1000000x64xf32, #tpu.memory_space<hbm>> -> memref<1000000x64xf32, #tpu.memory_space<hbm>>
    tpu.enqueue_indirect_dma source(%dma_start3A_6 : memref<1000000x64xf32, #tpu.memory_space<hbm>>) target(%arg6 : memref<128x64xf32, #tpu.memory_space<vmem>>) offsets(%dma_start3A_3 : memref<128xi32, #tpu.memory_space<vmem>>) semaphore(%arg14 : memref<!tpu.dma_semaphore, #tpu.memory_space<semaphore_mem>>)
    %dma_start3A_7 = arith.constant 1 : i32
    %dma_start3A_8 = arith.constant 0 : i32
    %dma_start3A_9 = tpu.memref_slice %arg5[%dma_start3A_7, %dma_start3A_8] : memref<200x128xi32, #tpu.memory_space<vmem>> -> memref<1x128xi32, #tpu.memory_space<vmem>>
    %dma_start3A_10 = tpu.memref_squeeze %dma_start3A_9 : memref<1x128xi32, #tpu.memory_space<vmem>> -> memref<128xi32, #tpu.memory_space<vmem>>
    %dma_start3A_11 = arith.constant 0 : i32
    %dma_start3A_12 = arith.constant 0 : i32
    %dma_start3A_13 = tpu.memref_slice %arg2[%dma_start3A_11, %dma_start3A_12] : memref<1000000x64xf32, #tpu.memory_space<hbm>> -> memref<1000000x64xf32, #tpu.memory_space<hbm>>
    tpu.enqueue_indirect_dma source(%dma_start3A_13 : memref<1000000x64xf32, #tpu.memory_space<hbm>>) target(%arg7 : memref<128x64xf32, #tpu.memory_space<vmem>>) offsets(%dma_start3A_10 : memref<128xi32, #tpu.memory_space<vmem>>) semaphore(%arg15 : memref<!tpu.dma_semaphore, #tpu.memory_space<semaphore_mem>>)
    %dma_start3A_14 = arith.constant 2 : i32
    %dma_start3A_15 = arith.constant 0 : i32
    %dma_start3A_16 = tpu.memref_slice %arg5[%dma_start3A_14, %dma_start3A_15] : memref<200x128xi32, #tpu.memory_space<vmem>> -> memref<1x128xi32, #tpu.memory_space<vmem>>
    %dma_start3A_17 = tpu.memref_squeeze %dma_start3A_16 : memref<1x128xi32, #tpu.memory_space<vmem>> -> memref<128xi32, #tpu.memory_space<vmem>>
    %dma_start3A_18 = arith.constant 0 : i32
    %dma_start3A_19 = arith.constant 0 : i32
    %dma_start3A_20 = tpu.memref_slice %arg2[%dma_start3A_18, %dma_start3A_19] : memref<1000000x64xf32, #tpu.memory_space<hbm>> -> memref<1000000x64xf32, #tpu.memory_space<hbm>>
    tpu.enqueue_indirect_dma source(%dma_start3A_20 : memref<1000000x64xf32, #tpu.memory_space<hbm>>) target(%arg8 : memref<128x64xf32, #tpu.memory_space<vmem>>) offsets(%dma_start3A_17 : memref<128xi32, #tpu.memory_space<vmem>>) semaphore(%arg16 : memref<!tpu.dma_semaphore, #tpu.memory_space<semaphore_mem>>)
    %dma_start3A_21 = arith.constant 3 : i32
    %dma_start3A_22 = arith.constant 0 : i32
    %dma_start3A_23 = tpu.memref_slice %arg5[%dma_start3A_21, %dma_start3A_22] : memref<200x128xi32, #tpu.memory_space<vmem>> -> memref<1x128xi32, #tpu.memory_space<vmem>>
    %dma_start3A_24 = tpu.memref_squeeze %dma_start3A_23 : memref<1x128xi32, #tpu.memory_space<vmem>> -> memref<128xi32, #tpu.memory_space<vmem>>
    %dma_start3A_25 = arith.constant 0 : i32
    %dma_start3A_26 = arith.constant 0 : i32
    %dma_start3A_27 = tpu.memref_slice %arg2[%dma_start3A_25, %dma_start3A_26] : memref<1000000x64xf32, #tpu.memory_space<hbm>> -> memref<1000000x64xf32, #tpu.memory_space<hbm>>
    tpu.enqueue_indirect_dma source(%dma_start3A_27 : memref<1000000x64xf32, #tpu.memory_space<hbm>>) target(%arg9 : memref<128x64xf32, #tpu.memory_space<vmem>>) offsets(%dma_start3A_24 : memref<128xi32, #tpu.memory_space<vmem>>) semaphore(%arg17 : memref<!tpu.dma_semaphore, #tpu.memory_space<semaphore_mem>>)
    %dma_start3A_28 = arith.constant 4 : i32
    %dma_start3A_29 = arith.constant 0 : i32
    %dma_start3A_30 = tpu.memref_slice %arg5[%dma_start3A_28, %dma_start3A_29] : memref<200x128xi32, #tpu.memory_space<vmem>> -> memref<1x128xi32, #tpu.memory_space<vmem>>
    %dma_start3A_31 = tpu.memref_squeeze %dma_start3A_30 : memref<1x128xi32, #tpu.memory_space<vmem>> -> memref<128xi32, #tpu.memory_space<vmem>>
    %dma_start3A_32 = arith.constant 0 : i32
    %dma_start3A_33 = arith.constant 0 : i32
    %dma_start3A_34 = tpu.memref_slice %arg2[%dma_start3A_32, %dma_start3A_33] : memref<1000000x64xf32, #tpu.memory_space<hbm>> -> memref<1000000x64xf32, #tpu.memory_space<hbm>>
    tpu.enqueue_indirect_dma source(%dma_start3A_34 : memref<1000000x64xf32, #tpu.memory_space<hbm>>) target(%arg10 : memref<128x64xf32, #tpu.memory_space<vmem>>) offsets(%dma_start3A_31 : memref<128xi32, #tpu.memory_space<vmem>>) semaphore(%arg18 : memref<!tpu.dma_semaphore, #tpu.memory_space<semaphore_mem>>)
    %dma_start3A_35 = arith.constant 5 : i32
    %dma_start3A_36 = arith.constant 0 : i32
    %dma_start3A_37 = tpu.memref_slice %arg5[%dma_start3A_35, %dma_start3A_36] : memref<200x128xi32, #tpu.memory_space<vmem>> -> memref<1x128xi32, #tpu.memory_space<vmem>>
    %dma_start3A_38 = tpu.memref_squeeze %dma_start3A_37 : memref<1x128xi32, #tpu.memory_space<vmem>> -> memref<128xi32, #tpu.memory_space<vmem>>
    %dma_start3A_39 = arith.constant 0 : i32
    %dma_start3A_40 = arith.constant 0 : i32
    %dma_start3A_41 = tpu.memref_slice %arg2[%dma_start3A_39, %dma_start3A_40] : memref<1000000x64xf32, #tpu.memory_space<hbm>> -> memref<1000000x64xf32, #tpu.memory_space<hbm>>
    tpu.enqueue_indirect_dma source(%dma_start3A_41 : memref<1000000x64xf32, #tpu.memory_space<hbm>>) target(%arg11 : memref<128x64xf32, #tpu.memory_space<vmem>>) offsets(%dma_start3A_38 : memref<128xi32, #tpu.memory_space<vmem>>) semaphore(%arg19 : memref<!tpu.dma_semaphore, #tpu.memory_space<semaphore_mem>>)
    %dma_start3A_42 = arith.constant 6 : i32
    %dma_start3A_43 = arith.constant 0 : i32
    %dma_start3A_44 = tpu.memref_slice %arg5[%dma_start3A_42, %dma_start3A_43] : memref<200x128xi32, #tpu.memory_space<vmem>> -> memref<1x128xi32, #tpu.memory_space<vmem>>
    %dma_start3A_45 = tpu.memref_squeeze %dma_start3A_44 : memref<1x128xi32, #tpu.memory_space<vmem>> -> memref<128xi32, #tpu.memory_space<vmem>>
    %dma_start3A_46 = arith.constant 0 : i32
    %dma_start3A_47 = arith.constant 0 : i32
    %dma_start3A_48 = tpu.memref_slice %arg2[%dma_start3A_46, %dma_start3A_47] : memref<1000000x64xf32, #tpu.memory_space<hbm>> -> memref<1000000x64xf32, #tpu.memory_space<hbm>>
    tpu.enqueue_indirect_dma source(%dma_start3A_48 : memref<1000000x64xf32, #tpu.memory_space<hbm>>) target(%arg12 : memref<128x64xf32, #tpu.memory_space<vmem>>) offsets(%dma_start3A_45 : memref<128xi32, #tpu.memory_space<vmem>>) semaphore(%arg20 : memref<!tpu.dma_semaphore, #tpu.memory_space<semaphore_mem>>)
    %dma_start3A_49 = arith.constant 7 : i32
    %dma_start3A_50 = arith.constant 0 : i32
    %dma_start3A_51 = tpu.memref_slice %arg5[%dma_start3A_49, %dma_start3A_50] : memref<200x128xi32, #tpu.memory_space<vmem>> -> memref<1x128xi32, #tpu.memory_space<vmem>>
    %dma_start3A_52 = tpu.memref_squeeze %dma_start3A_51 : memref<1x128xi32, #tpu.memory_space<vmem>> -> memref<128xi32, #tpu.memory_space<vmem>>
    %dma_start3A_53 = arith.constant 0 : i32
    %dma_start3A_54 = arith.constant 0 : i32
    %dma_start3A_55 = tpu.memref_slice %arg2[%dma_start3A_53, %dma_start3A_54] : memref<1000000x64xf32, #tpu.memory_space<hbm>> -> memref<1000000x64xf32, #tpu.memory_space<hbm>>
    tpu.enqueue_indirect_dma source(%dma_start3A_55 : memref<1000000x64xf32, #tpu.memory_space<hbm>>) target(%arg13 : memref<128x64xf32, #tpu.memory_space<vmem>>) offsets(%dma_start3A_52 : memref<128xi32, #tpu.memory_space<vmem>>) semaphore(%arg21 : memref<!tpu.dma_semaphore, #tpu.memory_space<semaphore_mem>>)
    %scan3A = arith.constant 0 : i32
    %scan3A_56 = arith.constant 0 : i32
    %scan3A_57 = arith.constant 25 : i32
    %scan3A_58 = arith.addi %scan3A_56, %scan3A_57 : i32
    %scan3A_59 = arith.constant 1 : i32
    scf.for %scan3A_132 = %scan3A_56 to %scan3A_58 step %scan3A_59  : i32 {
      %mul3A_133 = arith.constant 8 : i32
      %mul3A_134 = arith.muli %scan3A_132, %mul3A_133 : i32
      %add3A_135 = arith.constant 0 : i32
      %add3A_136 = arith.addi %mul3A_134, %add3A_135 : i32
      %dma_wait3A_137 = arith.constant 0 : i32
      %dma_wait3A_138 = tpu.memref_slice %arg5[%add3A_136, %dma_wait3A_137] : memref<200x128xi32, #tpu.memory_space<vmem>> -> memref<1x128xi32, #tpu.memory_space<vmem>>
      %dma_wait3A_139 = tpu.memref_squeeze %dma_wait3A_138 : memref<1x128xi32, #tpu.memory_space<vmem>> -> memref<128xi32, #tpu.memory_space<vmem>>
      %dma_wait3A_140 = arith.constant 0 : i32
      %dma_wait3A_141 = arith.constant 0 : i32
      %dma_wait3A_142 = tpu.memref_slice %arg2[%dma_wait3A_140, %dma_wait3A_141] : memref<1000000x64xf32, #tpu.memory_space<hbm>> -> memref<1000000x64xf32, #tpu.memory_space<hbm>>
      tpu.wait_indirect_dma semaphore(%arg14 : memref<!tpu.dma_semaphore, #tpu.memory_space<semaphore_mem>>) src(%dma_wait3A_142 : memref<1000000x64xf32, #tpu.memory_space<hbm>>) dst(%arg6 : memref<128x64xf32, #tpu.memory_space<vmem>>)
      %dma_start3A_143 = arith.constant 0 : i32
      %dma_start3A_144 = arith.constant 0 : i32
      %dma_start3A_145 = tpu.memref_slice %arg4[%add3A, %add3A_136, %dma_start3A_143, %dma_start3A_144] : memref<32x200x128x64xf32, #tpu.memory_space<hbm>> -> memref<1x1x128x64xf32, #tpu.memory_space<hbm>>
      %dma_start3A_146 = tpu.memref_squeeze %dma_start3A_145 : memref<1x1x128x64xf32, #tpu.memory_space<hbm>> -> memref<128x64xf32, #tpu.memory_space<hbm>>
      %dma_start3A_147 = arith.constant 0 : i32
      %dma_start3A_148 = arith.constant 0 : i32
      %dma_start3A_149 = tpu.memref_slice %arg4[%add3A, %add3A_136, %dma_start3A_147, %dma_start3A_148] : memref<32x200x128x64xf32, #tpu.memory_space<hbm>> -> memref<1x1x128x64xf32, #tpu.memory_space<hbm>>
      %dma_start3A_150 = tpu.memref_squeeze %dma_start3A_149 : memref<1x1x128x64xf32, #tpu.memory_space<hbm>> -> memref<128x64xf32, #tpu.memory_space<hbm>>
      tpu.enqueue_dma source(%arg6 : memref<128x64xf32, #tpu.memory_space<vmem>>) target(%dma_start3A_150 : memref<128x64xf32, #tpu.memory_space<hbm>>) target_semaphore(%arg22 : memref<!tpu.dma_semaphore, #tpu.memory_space<semaphore_mem>>)
      %lt3A = arith.constant 24 : i32
      %lt3A_151 = arith.cmpi slt, %scan3A_132, %lt3A : i32
      %convert_element_type3A = arith.extui %lt3A_151 : i1 to i32
      %cond3A = arith.constant 0 : i32
      %cond3A_152 = arith.cmpi ne, %convert_element_type3A, %cond3A : i32
      scf.if %cond3A_152 {
        %dma_wait3A_314 = arith.constant 0 : i32
        %dma_wait3A_315 = arith.constant 0 : i32
        %dma_wait3A_316 = tpu.memref_slice %arg4[%add3A, %add3A_136, %dma_wait3A_314, %dma_wait3A_315] : memref<32x200x128x64xf32, #tpu.memory_space<hbm>> -> memref<1x1x128x64xf32, #tpu.memory_space<hbm>>
        %dma_wait3A_317 = tpu.memref_squeeze %dma_wait3A_316 : memref<1x1x128x64xf32, #tpu.memory_space<hbm>> -> memref<128x64xf32, #tpu.memory_space<hbm>>
        %dma_wait3A_318 = arith.constant 0 : i32
        %dma_wait3A_319 = arith.constant 0 : i32
        %dma_wait3A_320 = tpu.memref_slice %arg4[%add3A, %add3A_136, %dma_wait3A_318, %dma_wait3A_319] : memref<32x200x128x64xf32, #tpu.memory_space<hbm>> -> memref<1x1x128x64xf32, #tpu.memory_space<hbm>>
        %dma_wait3A_321 = tpu.memref_squeeze %dma_wait3A_320 : memref<1x1x128x64xf32, #tpu.memory_space<hbm>> -> memref<128x64xf32, #tpu.memory_space<hbm>>
        tpu.wait_dma2 semaphore(%arg22 : memref<!tpu.dma_semaphore, #tpu.memory_space<semaphore_mem>>) src(%arg6 : memref<128x64xf32, #tpu.memory_space<vmem>>) dst(%dma_wait3A_321 : memref<128x64xf32, #tpu.memory_space<hbm>>)
        %add3A_322 = arith.constant 8 : i32
        %add3A_323 = arith.addi %add3A_136, %add3A_322 : i32
        %dma_start3A_324 = arith.constant 0 : i32
        %dma_start3A_325 = tpu.memref_slice %arg5[%add3A_323, %dma_start3A_324] : memref<200x128xi32, #tpu.memory_space<vmem>> -> memref<1x128xi32, #tpu.memory_space<vmem>>
        %dma_start3A_326 = tpu.memref_squeeze %dma_start3A_325 : memref<1x128xi32, #tpu.memory_space<vmem>> -> memref<128xi32, #tpu.memory_space<vmem>>
        %dma_start3A_327 = arith.constant 0 : i32
        %dma_start3A_328 = arith.constant 0 : i32
        %dma_start3A_329 = tpu.memref_slice %arg2[%dma_start3A_327, %dma_start3A_328] : memref<1000000x64xf32, #tpu.memory_space<hbm>> -> memref<1000000x64xf32, #tpu.memory_space<hbm>>
        tpu.enqueue_indirect_dma source(%dma_start3A_329 : memref<1000000x64xf32, #tpu.memory_space<hbm>>) target(%arg6 : memref<128x64xf32, #tpu.memory_space<vmem>>) offsets(%dma_start3A_326 : memref<128xi32, #tpu.memory_space<vmem>>) semaphore(%arg14 : memref<!tpu.dma_semaphore, #tpu.memory_space<semaphore_mem>>)
      } else {
      }
      %mul3A_153 = arith.constant 8 : i32
      %mul3A_154 = arith.muli %scan3A_132, %mul3A_153 : i32
      %add3A_155 = arith.constant 1 : i32
      %add3A_156 = arith.addi %mul3A_154, %add3A_155 : i32
      %dma_wait3A_157 = arith.constant 0 : i32
      %dma_wait3A_158 = tpu.memref_slice %arg5[%add3A_156, %dma_wait3A_157] : memref<200x128xi32, #tpu.memory_space<vmem>> -> memref<1x128xi32, #tpu.memory_space<vmem>>
      %dma_wait3A_159 = tpu.memref_squeeze %dma_wait3A_158 : memref<1x128xi32, #tpu.memory_space<vmem>> -> memref<128xi32, #tpu.memory_space<vmem>>
      %dma_wait3A_160 = arith.constant 0 : i32
      %dma_wait3A_161 = arith.constant 0 : i32
      %dma_wait3A_162 = tpu.memref_slice %arg2[%dma_wait3A_160, %dma_wait3A_161] : memref<1000000x64xf32, #tpu.memory_space<hbm>> -> memref<1000000x64xf32, #tpu.memory_space<hbm>>
      tpu.wait_indirect_dma semaphore(%arg15 : memref<!tpu.dma_semaphore, #tpu.memory_space<semaphore_mem>>) src(%dma_wait3A_162 : memref<1000000x64xf32, #tpu.memory_space<hbm>>) dst(%arg7 : memref<128x64xf32, #tpu.memory_space<vmem>>)
      %dma_start3A_163 = arith.constant 0 : i32
      %dma_start3A_164 = arith.constant 0 : i32
      %dma_start3A_165 = tpu.memref_slice %arg4[%add3A, %add3A_156, %dma_start3A_163, %dma_start3A_164] : memref<32x200x128x64xf32, #tpu.memory_space<hbm>> -> memref<1x1x128x64xf32, #tpu.memory_space<hbm>>
      %dma_start3A_166 = tpu.memref_squeeze %dma_start3A_165 : memref<1x1x128x64xf32, #tpu.memory_space<hbm>> -> memref<128x64xf32, #tpu.memory_space<hbm>>
      %dma_start3A_167 = arith.constant 0 : i32
      %dma_start3A_168 = arith.constant 0 : i32
      %dma_start3A_169 = tpu.memref_slice %arg4[%add3A, %add3A_156, %dma_start3A_167, %dma_start3A_168] : memref<32x200x128x64xf32, #tpu.memory_space<hbm>> -> memref<1x1x128x64xf32, #tpu.memory_space<hbm>>
      %dma_start3A_170 = tpu.memref_squeeze %dma_start3A_169 : memref<1x1x128x64xf32, #tpu.memory_space<hbm>> -> memref<128x64xf32, #tpu.memory_space<hbm>>
      tpu.enqueue_dma source(%arg7 : memref<128x64xf32, #tpu.memory_space<vmem>>) target(%dma_start3A_170 : memref<128x64xf32, #tpu.memory_space<hbm>>) target_semaphore(%arg23 : memref<!tpu.dma_semaphore, #tpu.memory_space<semaphore_mem>>)
      %lt3A_171 = arith.constant 24 : i32
      %lt3A_172 = arith.cmpi slt, %scan3A_132, %lt3A_171 : i32
      %convert_element_type3A_173 = arith.extui %lt3A_172 : i1 to i32
      %cond3A_174 = arith.constant 0 : i32
      %cond3A_175 = arith.cmpi ne, %convert_element_type3A_173, %cond3A_174 : i32
      scf.if %cond3A_175 {
        %dma_wait3A_314 = arith.constant 0 : i32
        %dma_wait3A_315 = arith.constant 0 : i32
        %dma_wait3A_316 = tpu.memref_slice %arg4[%add3A, %add3A_156, %dma_wait3A_314, %dma_wait3A_315] : memref<32x200x128x64xf32, #tpu.memory_space<hbm>> -> memref<1x1x128x64xf32, #tpu.memory_space<hbm>>
        %dma_wait3A_317 = tpu.memref_squeeze %dma_wait3A_316 : memref<1x1x128x64xf32, #tpu.memory_space<hbm>> -> memref<128x64xf32, #tpu.memory_space<hbm>>
        %dma_wait3A_318 = arith.constant 0 : i32
        %dma_wait3A_319 = arith.constant 0 : i32
        %dma_wait3A_320 = tpu.memref_slice %arg4[%add3A, %add3A_156, %dma_wait3A_318, %dma_wait3A_319] : memref<32x200x128x64xf32, #tpu.memory_space<hbm>> -> memref<1x1x128x64xf32, #tpu.memory_space<hbm>>
        %dma_wait3A_321 = tpu.memref_squeeze %dma_wait3A_320 : memref<1x1x128x64xf32, #tpu.memory_space<hbm>> -> memref<128x64xf32, #tpu.memory_space<hbm>>
        tpu.wait_dma2 semaphore(%arg23 : memref<!tpu.dma_semaphore, #tpu.memory_space<semaphore_mem>>) src(%arg7 : memref<128x64xf32, #tpu.memory_space<vmem>>) dst(%dma_wait3A_321 : memref<128x64xf32, #tpu.memory_space<hbm>>)
        %add3A_322 = arith.constant 8 : i32
        %add3A_323 = arith.addi %add3A_156, %add3A_322 : i32
        %dma_start3A_324 = arith.constant 0 : i32
        %dma_start3A_325 = tpu.memref_slice %arg5[%add3A_323, %dma_start3A_324] : memref<200x128xi32, #tpu.memory_space<vmem>> -> memref<1x128xi32, #tpu.memory_space<vmem>>
        %dma_start3A_326 = tpu.memref_squeeze %dma_start3A_325 : memref<1x128xi32, #tpu.memory_space<vmem>> -> memref<128xi32, #tpu.memory_space<vmem>>
        %dma_start3A_327 = arith.constant 0 : i32
        %dma_start3A_328 = arith.constant 0 : i32
        %dma_start3A_329 = tpu.memref_slice %arg2[%dma_start3A_327, %dma_start3A_328] : memref<1000000x64xf32, #tpu.memory_space<hbm>> -> memref<1000000x64xf32, #tpu.memory_space<hbm>>
        tpu.enqueue_indirect_dma source(%dma_start3A_329 : memref<1000000x64xf32, #tpu.memory_space<hbm>>) target(%arg7 : memref<128x64xf32, #tpu.memory_space<vmem>>) offsets(%dma_start3A_326 : memref<128xi32, #tpu.memory_space<vmem>>) semaphore(%arg15 : memref<!tpu.dma_semaphore, #tpu.memory_space<semaphore_mem>>)
      } else {
      }
      %mul3A_176 = arith.constant 8 : i32
      %mul3A_177 = arith.muli %scan3A_132, %mul3A_176 : i32
      %add3A_178 = arith.constant 2 : i32
      %add3A_179 = arith.addi %mul3A_177, %add3A_178 : i32
      %dma_wait3A_180 = arith.constant 0 : i32
      %dma_wait3A_181 = tpu.memref_slice %arg5[%add3A_179, %dma_wait3A_180] : memref<200x128xi32, #tpu.memory_space<vmem>> -> memref<1x128xi32, #tpu.memory_space<vmem>>
      %dma_wait3A_182 = tpu.memref_squeeze %dma_wait3A_181 : memref<1x128xi32, #tpu.memory_space<vmem>> -> memref<128xi32, #tpu.memory_space<vmem>>
      %dma_wait3A_183 = arith.constant 0 : i32
      %dma_wait3A_184 = arith.constant 0 : i32
      %dma_wait3A_185 = tpu.memref_slice %arg2[%dma_wait3A_183, %dma_wait3A_184] : memref<1000000x64xf32, #tpu.memory_space<hbm>> -> memref<1000000x64xf32, #tpu.memory_space<hbm>>
      tpu.wait_indirect_dma semaphore(%arg16 : memref<!tpu.dma_semaphore, #tpu.memory_space<semaphore_mem>>) src(%dma_wait3A_185 : memref<1000000x64xf32, #tpu.memory_space<hbm>>) dst(%arg8 : memref<128x64xf32, #tpu.memory_space<vmem>>)
      %dma_start3A_186 = arith.constant 0 : i32
      %dma_start3A_187 = arith.constant 0 : i32
      %dma_start3A_188 = tpu.memref_slice %arg4[%add3A, %add3A_179, %dma_start3A_186, %dma_start3A_187] : memref<32x200x128x64xf32, #tpu.memory_space<hbm>> -> memref<1x1x128x64xf32, #tpu.memory_space<hbm>>
      %dma_start3A_189 = tpu.memref_squeeze %dma_start3A_188 : memref<1x1x128x64xf32, #tpu.memory_space<hbm>> -> memref<128x64xf32, #tpu.memory_space<hbm>>
      %dma_start3A_190 = arith.constant 0 : i32
      %dma_start3A_191 = arith.constant 0 : i32
      %dma_start3A_192 = tpu.memref_slice %arg4[%add3A, %add3A_179, %dma_start3A_190, %dma_start3A_191] : memref<32x200x128x64xf32, #tpu.memory_space<hbm>> -> memref<1x1x128x64xf32, #tpu.memory_space<hbm>>
      %dma_start3A_193 = tpu.memref_squeeze %dma_start3A_192 : memref<1x1x128x64xf32, #tpu.memory_space<hbm>> -> memref<128x64xf32, #tpu.memory_space<hbm>>
      tpu.enqueue_dma source(%arg8 : memref<128x64xf32, #tpu.memory_space<vmem>>) target(%dma_start3A_193 : memref<128x64xf32, #tpu.memory_space<hbm>>) target_semaphore(%arg24 : memref<!tpu.dma_semaphore, #tpu.memory_space<semaphore_mem>>)
      %lt3A_194 = arith.constant 24 : i32
      %lt3A_195 = arith.cmpi slt, %scan3A_132, %lt3A_194 : i32
      %convert_element_type3A_196 = arith.extui %lt3A_195 : i1 to i32
      %cond3A_197 = arith.constant 0 : i32
      %cond3A_198 = arith.cmpi ne, %convert_element_type3A_196, %cond3A_197 : i32
      scf.if %cond3A_198 {
        %dma_wait3A_314 = arith.constant 0 : i32
        %dma_wait3A_315 = arith.constant 0 : i32
        %dma_wait3A_316 = tpu.memref_slice %arg4[%add3A, %add3A_179, %dma_wait3A_314, %dma_wait3A_315] : memref<32x200x128x64xf32, #tpu.memory_space<hbm>> -> memref<1x1x128x64xf32, #tpu.memory_space<hbm>>
        %dma_wait3A_317 = tpu.memref_squeeze %dma_wait3A_316 : memref<1x1x128x64xf32, #tpu.memory_space<hbm>> -> memref<128x64xf32, #tpu.memory_space<hbm>>
        %dma_wait3A_318 = arith.constant 0 : i32
        %dma_wait3A_319 = arith.constant 0 : i32
        %dma_wait3A_320 = tpu.memref_slice %arg4[%add3A, %add3A_179, %dma_wait3A_318, %dma_wait3A_319] : memref<32x200x128x64xf32, #tpu.memory_space<hbm>> -> memref<1x1x128x64xf32, #tpu.memory_space<hbm>>
        %dma_wait3A_321 = tpu.memref_squeeze %dma_wait3A_320 : memref<1x1x128x64xf32, #tpu.memory_space<hbm>> -> memref<128x64xf32, #tpu.memory_space<hbm>>
        tpu.wait_dma2 semaphore(%arg24 : memref<!tpu.dma_semaphore, #tpu.memory_space<semaphore_mem>>) src(%arg8 : memref<128x64xf32, #tpu.memory_space<vmem>>) dst(%dma_wait3A_321 : memref<128x64xf32, #tpu.memory_space<hbm>>)
        %add3A_322 = arith.constant 8 : i32
        %add3A_323 = arith.addi %add3A_179, %add3A_322 : i32
        %dma_start3A_324 = arith.constant 0 : i32
        %dma_start3A_325 = tpu.memref_slice %arg5[%add3A_323, %dma_start3A_324] : memref<200x128xi32, #tpu.memory_space<vmem>> -> memref<1x128xi32, #tpu.memory_space<vmem>>
        %dma_start3A_326 = tpu.memref_squeeze %dma_start3A_325 : memref<1x128xi32, #tpu.memory_space<vmem>> -> memref<128xi32, #tpu.memory_space<vmem>>
        %dma_start3A_327 = arith.constant 0 : i32
        %dma_start3A_328 = arith.constant 0 : i32
        %dma_start3A_329 = tpu.memref_slice %arg2[%dma_start3A_327, %dma_start3A_328] : memref<1000000x64xf32, #tpu.memory_space<hbm>> -> memref<1000000x64xf32, #tpu.memory_space<hbm>>
        tpu.enqueue_indirect_dma source(%dma_start3A_329 : memref<1000000x64xf32, #tpu.memory_space<hbm>>) target(%arg8 : memref<128x64xf32, #tpu.memory_space<vmem>>) offsets(%dma_start3A_326 : memref<128xi32, #tpu.memory_space<vmem>>) semaphore(%arg16 : memref<!tpu.dma_semaphore, #tpu.memory_space<semaphore_mem>>)
      } else {
      }
      %mul3A_199 = arith.constant 8 : i32
      %mul3A_200 = arith.muli %scan3A_132, %mul3A_199 : i32
      %add3A_201 = arith.constant 3 : i32
      %add3A_202 = arith.addi %mul3A_200, %add3A_201 : i32
      %dma_wait3A_203 = arith.constant 0 : i32
      %dma_wait3A_204 = tpu.memref_slice %arg5[%add3A_202, %dma_wait3A_203] : memref<200x128xi32, #tpu.memory_space<vmem>> -> memref<1x128xi32, #tpu.memory_space<vmem>>
      %dma_wait3A_205 = tpu.memref_squeeze %dma_wait3A_204 : memref<1x128xi32, #tpu.memory_space<vmem>> -> memref<128xi32, #tpu.memory_space<vmem>>
      %dma_wait3A_206 = arith.constant 0 : i32
      %dma_wait3A_207 = arith.constant 0 : i32
      %dma_wait3A_208 = tpu.memref_slice %arg2[%dma_wait3A_206, %dma_wait3A_207] : memref<1000000x64xf32, #tpu.memory_space<hbm>> -> memref<1000000x64xf32, #tpu.memory_space<hbm>>
      tpu.wait_indirect_dma semaphore(%arg17 : memref<!tpu.dma_semaphore, #tpu.memory_space<semaphore_mem>>) src(%dma_wait3A_208 : memref<1000000x64xf32, #tpu.memory_space<hbm>>) dst(%arg9 : memref<128x64xf32, #tpu.memory_space<vmem>>)
      %dma_start3A_209 = arith.constant 0 : i32
      %dma_start3A_210 = arith.constant 0 : i32
      %dma_start3A_211 = tpu.memref_slice %arg4[%add3A, %add3A_202, %dma_start3A_209, %dma_start3A_210] : memref<32x200x128x64xf32, #tpu.memory_space<hbm>> -> memref<1x1x128x64xf32, #tpu.memory_space<hbm>>
      %dma_start3A_212 = tpu.memref_squeeze %dma_start3A_211 : memref<1x1x128x64xf32, #tpu.memory_space<hbm>> -> memref<128x64xf32, #tpu.memory_space<hbm>>
      %dma_start3A_213 = arith.constant 0 : i32
      %dma_start3A_214 = arith.constant 0 : i32
      %dma_start3A_215 = tpu.memref_slice %arg4[%add3A, %add3A_202, %dma_start3A_213, %dma_start3A_214] : memref<32x200x128x64xf32, #tpu.memory_space<hbm>> -> memref<1x1x128x64xf32, #tpu.memory_space<hbm>>
      %dma_start3A_216 = tpu.memref_squeeze %dma_start3A_215 : memref<1x1x128x64xf32, #tpu.memory_space<hbm>> -> memref<128x64xf32, #tpu.memory_space<hbm>>
      tpu.enqueue_dma source(%arg9 : memref<128x64xf32, #tpu.memory_space<vmem>>) target(%dma_start3A_216 : memref<128x64xf32, #tpu.memory_space<hbm>>) target_semaphore(%arg25 : memref<!tpu.dma_semaphore, #tpu.memory_space<semaphore_mem>>)
      %lt3A_217 = arith.constant 24 : i32
      %lt3A_218 = arith.cmpi slt, %scan3A_132, %lt3A_217 : i32
      %convert_element_type3A_219 = arith.extui %lt3A_218 : i1 to i32
      %cond3A_220 = arith.constant 0 : i32
      %cond3A_221 = arith.cmpi ne, %convert_element_type3A_219, %cond3A_220 : i32
      scf.if %cond3A_221 {
        %dma_wait3A_314 = arith.constant 0 : i32
        %dma_wait3A_315 = arith.constant 0 : i32
        %dma_wait3A_316 = tpu.memref_slice %arg4[%add3A, %add3A_202, %dma_wait3A_314, %dma_wait3A_315] : memref<32x200x128x64xf32, #tpu.memory_space<hbm>> -> memref<1x1x128x64xf32, #tpu.memory_space<hbm>>
        %dma_wait3A_317 = tpu.memref_squeeze %dma_wait3A_316 : memref<1x1x128x64xf32, #tpu.memory_space<hbm>> -> memref<128x64xf32, #tpu.memory_space<hbm>>
        %dma_wait3A_318 = arith.constant 0 : i32
        %dma_wait3A_319 = arith.constant 0 : i32
        %dma_wait3A_320 = tpu.memref_slice %arg4[%add3A, %add3A_202, %dma_wait3A_318, %dma_wait3A_319] : memref<32x200x128x64xf32, #tpu.memory_space<hbm>> -> memref<1x1x128x64xf32, #tpu.memory_space<hbm>>
        %dma_wait3A_321 = tpu.memref_squeeze %dma_wait3A_320 : memref<1x1x128x64xf32, #tpu.memory_space<hbm>> -> memref<128x64xf32, #tpu.memory_space<hbm>>
        tpu.wait_dma2 semaphore(%arg25 : memref<!tpu.dma_semaphore, #tpu.memory_space<semaphore_mem>>) src(%arg9 : memref<128x64xf32, #tpu.memory_space<vmem>>) dst(%dma_wait3A_321 : memref<128x64xf32, #tpu.memory_space<hbm>>)
        %add3A_322 = arith.constant 8 : i32
        %add3A_323 = arith.addi %add3A_202, %add3A_322 : i32
        %dma_start3A_324 = arith.constant 0 : i32
        %dma_start3A_325 = tpu.memref_slice %arg5[%add3A_323, %dma_start3A_324] : memref<200x128xi32, #tpu.memory_space<vmem>> -> memref<1x128xi32, #tpu.memory_space<vmem>>
        %dma_start3A_326 = tpu.memref_squeeze %dma_start3A_325 : memref<1x128xi32, #tpu.memory_space<vmem>> -> memref<128xi32, #tpu.memory_space<vmem>>
        %dma_start3A_327 = arith.constant 0 : i32
        %dma_start3A_328 = arith.constant 0 : i32
        %dma_start3A_329 = tpu.memref_slice %arg2[%dma_start3A_327, %dma_start3A_328] : memref<1000000x64xf32, #tpu.memory_space<hbm>> -> memref<1000000x64xf32, #tpu.memory_space<hbm>>
        tpu.enqueue_indirect_dma source(%dma_start3A_329 : memref<1000000x64xf32, #tpu.memory_space<hbm>>) target(%arg9 : memref<128x64xf32, #tpu.memory_space<vmem>>) offsets(%dma_start3A_326 : memref<128xi32, #tpu.memory_space<vmem>>) semaphore(%arg17 : memref<!tpu.dma_semaphore, #tpu.memory_space<semaphore_mem>>)
      } else {
      }
      %mul3A_222 = arith.constant 8 : i32
      %mul3A_223 = arith.muli %scan3A_132, %mul3A_222 : i32
      %add3A_224 = arith.constant 4 : i32
      %add3A_225 = arith.addi %mul3A_223, %add3A_224 : i32
      %dma_wait3A_226 = arith.constant 0 : i32
      %dma_wait3A_227 = tpu.memref_slice %arg5[%add3A_225, %dma_wait3A_226] : memref<200x128xi32, #tpu.memory_space<vmem>> -> memref<1x128xi32, #tpu.memory_space<vmem>>
      %dma_wait3A_228 = tpu.memref_squeeze %dma_wait3A_227 : memref<1x128xi32, #tpu.memory_space<vmem>> -> memref<128xi32, #tpu.memory_space<vmem>>
      %dma_wait3A_229 = arith.constant 0 : i32
      %dma_wait3A_230 = arith.constant 0 : i32
      %dma_wait3A_231 = tpu.memref_slice %arg2[%dma_wait3A_229, %dma_wait3A_230] : memref<1000000x64xf32, #tpu.memory_space<hbm>> -> memref<1000000x64xf32, #tpu.memory_space<hbm>>
      tpu.wait_indirect_dma semaphore(%arg18 : memref<!tpu.dma_semaphore, #tpu.memory_space<semaphore_mem>>) src(%dma_wait3A_231 : memref<1000000x64xf32, #tpu.memory_space<hbm>>) dst(%arg10 : memref<128x64xf32, #tpu.memory_space<vmem>>)
      %dma_start3A_232 = arith.constant 0 : i32
      %dma_start3A_233 = arith.constant 0 : i32
      %dma_start3A_234 = tpu.memref_slice %arg4[%add3A, %add3A_225, %dma_start3A_232, %dma_start3A_233] : memref<32x200x128x64xf32, #tpu.memory_space<hbm>> -> memref<1x1x128x64xf32, #tpu.memory_space<hbm>>
      %dma_start3A_235 = tpu.memref_squeeze %dma_start3A_234 : memref<1x1x128x64xf32, #tpu.memory_space<hbm>> -> memref<128x64xf32, #tpu.memory_space<hbm>>
      %dma_start3A_236 = arith.constant 0 : i32
      %dma_start3A_237 = arith.constant 0 : i32
      %dma_start3A_238 = tpu.memref_slice %arg4[%add3A, %add3A_225, %dma_start3A_236, %dma_start3A_237] : memref<32x200x128x64xf32, #tpu.memory_space<hbm>> -> memref<1x1x128x64xf32, #tpu.memory_space<hbm>>
      %dma_start3A_239 = tpu.memref_squeeze %dma_start3A_238 : memref<1x1x128x64xf32, #tpu.memory_space<hbm>> -> memref<128x64xf32, #tpu.memory_space<hbm>>
      tpu.enqueue_dma source(%arg10 : memref<128x64xf32, #tpu.memory_space<vmem>>) target(%dma_start3A_239 : memref<128x64xf32, #tpu.memory_space<hbm>>) target_semaphore(%arg26 : memref<!tpu.dma_semaphore, #tpu.memory_space<semaphore_mem>>)
      %lt3A_240 = arith.constant 24 : i32
      %lt3A_241 = arith.cmpi slt, %scan3A_132, %lt3A_240 : i32
      %convert_element_type3A_242 = arith.extui %lt3A_241 : i1 to i32
      %cond3A_243 = arith.constant 0 : i32
      %cond3A_244 = arith.cmpi ne, %convert_element_type3A_242, %cond3A_243 : i32
      scf.if %cond3A_244 {
        %dma_wait3A_314 = arith.constant 0 : i32
        %dma_wait3A_315 = arith.constant 0 : i32
        %dma_wait3A_316 = tpu.memref_slice %arg4[%add3A, %add3A_225, %dma_wait3A_314, %dma_wait3A_315] : memref<32x200x128x64xf32, #tpu.memory_space<hbm>> -> memref<1x1x128x64xf32, #tpu.memory_space<hbm>>
        %dma_wait3A_317 = tpu.memref_squeeze %dma_wait3A_316 : memref<1x1x128x64xf32, #tpu.memory_space<hbm>> -> memref<128x64xf32, #tpu.memory_space<hbm>>
        %dma_wait3A_318 = arith.constant 0 : i32
        %dma_wait3A_319 = arith.constant 0 : i32
        %dma_wait3A_320 = tpu.memref_slice %arg4[%add3A, %add3A_225, %dma_wait3A_318, %dma_wait3A_319] : memref<32x200x128x64xf32, #tpu.memory_space<hbm>> -> memref<1x1x128x64xf32, #tpu.memory_space<hbm>>
        %dma_wait3A_321 = tpu.memref_squeeze %dma_wait3A_320 : memref<1x1x128x64xf32, #tpu.memory_space<hbm>> -> memref<128x64xf32, #tpu.memory_space<hbm>>
        tpu.wait_dma2 semaphore(%arg26 : memref<!tpu.dma_semaphore, #tpu.memory_space<semaphore_mem>>) src(%arg10 : memref<128x64xf32, #tpu.memory_space<vmem>>) dst(%dma_wait3A_321 : memref<128x64xf32, #tpu.memory_space<hbm>>)
        %add3A_322 = arith.constant 8 : i32
        %add3A_323 = arith.addi %add3A_225, %add3A_322 : i32
        %dma_start3A_324 = arith.constant 0 : i32
        %dma_start3A_325 = tpu.memref_slice %arg5[%add3A_323, %dma_start3A_324] : memref<200x128xi32, #tpu.memory_space<vmem>> -> memref<1x128xi32, #tpu.memory_space<vmem>>
        %dma_start3A_326 = tpu.memref_squeeze %dma_start3A_325 : memref<1x128xi32, #tpu.memory_space<vmem>> -> memref<128xi32, #tpu.memory_space<vmem>>
        %dma_start3A_327 = arith.constant 0 : i32
        %dma_start3A_328 = arith.constant 0 : i32
        %dma_start3A_329 = tpu.memref_slice %arg2[%dma_start3A_327, %dma_start3A_328] : memref<1000000x64xf32, #tpu.memory_space<hbm>> -> memref<1000000x64xf32, #tpu.memory_space<hbm>>
        tpu.enqueue_indirect_dma source(%dma_start3A_329 : memref<1000000x64xf32, #tpu.memory_space<hbm>>) target(%arg10 : memref<128x64xf32, #tpu.memory_space<vmem>>) offsets(%dma_start3A_326 : memref<128xi32, #tpu.memory_space<vmem>>) semaphore(%arg18 : memref<!tpu.dma_semaphore, #tpu.memory_space<semaphore_mem>>)
      } else {
      }
      %mul3A_245 = arith.constant 8 : i32
      %mul3A_246 = arith.muli %scan3A_132, %mul3A_245 : i32
      %add3A_247 = arith.constant 5 : i32
      %add3A_248 = arith.addi %mul3A_246, %add3A_247 : i32
      %dma_wait3A_249 = arith.constant 0 : i32
      %dma_wait3A_250 = tpu.memref_slice %arg5[%add3A_248, %dma_wait3A_249] : memref<200x128xi32, #tpu.memory_space<vmem>> -> memref<1x128xi32, #tpu.memory_space<vmem>>
      %dma_wait3A_251 = tpu.memref_squeeze %dma_wait3A_250 : memref<1x128xi32, #tpu.memory_space<vmem>> -> memref<128xi32, #tpu.memory_space<vmem>>
      %dma_wait3A_252 = arith.constant 0 : i32
      %dma_wait3A_253 = arith.constant 0 : i32
      %dma_wait3A_254 = tpu.memref_slice %arg2[%dma_wait3A_252, %dma_wait3A_253] : memref<1000000x64xf32, #tpu.memory_space<hbm>> -> memref<1000000x64xf32, #tpu.memory_space<hbm>>
      tpu.wait_indirect_dma semaphore(%arg19 : memref<!tpu.dma_semaphore, #tpu.memory_space<semaphore_mem>>) src(%dma_wait3A_254 : memref<1000000x64xf32, #tpu.memory_space<hbm>>) dst(%arg11 : memref<128x64xf32, #tpu.memory_space<vmem>>)
      %dma_start3A_255 = arith.constant 0 : i32
      %dma_start3A_256 = arith.constant 0 : i32
      %dma_start3A_257 = tpu.memref_slice %arg4[%add3A, %add3A_248, %dma_start3A_255, %dma_start3A_256] : memref<32x200x128x64xf32, #tpu.memory_space<hbm>> -> memref<1x1x128x64xf32, #tpu.memory_space<hbm>>
      %dma_start3A_258 = tpu.memref_squeeze %dma_start3A_257 : memref<1x1x128x64xf32, #tpu.memory_space<hbm>> -> memref<128x64xf32, #tpu.memory_space<hbm>>
      %dma_start3A_259 = arith.constant 0 : i32
      %dma_start3A_260 = arith.constant 0 : i32
      %dma_start3A_261 = tpu.memref_slice %arg4[%add3A, %add3A_248, %dma_start3A_259, %dma_start3A_260] : memref<32x200x128x64xf32, #tpu.memory_space<hbm>> -> memref<1x1x128x64xf32, #tpu.memory_space<hbm>>
      %dma_start3A_262 = tpu.memref_squeeze %dma_start3A_261 : memref<1x1x128x64xf32, #tpu.memory_space<hbm>> -> memref<128x64xf32, #tpu.memory_space<hbm>>
      tpu.enqueue_dma source(%arg11 : memref<128x64xf32, #tpu.memory_space<vmem>>) target(%dma_start3A_262 : memref<128x64xf32, #tpu.memory_space<hbm>>) target_semaphore(%arg27 : memref<!tpu.dma_semaphore, #tpu.memory_space<semaphore_mem>>)
      %lt3A_263 = arith.constant 24 : i32
      %lt3A_264 = arith.cmpi slt, %scan3A_132, %lt3A_263 : i32
      %convert_element_type3A_265 = arith.extui %lt3A_264 : i1 to i32
      %cond3A_266 = arith.constant 0 : i32
      %cond3A_267 = arith.cmpi ne, %convert_element_type3A_265, %cond3A_266 : i32
      scf.if %cond3A_267 {
        %dma_wait3A_314 = arith.constant 0 : i32
        %dma_wait3A_315 = arith.constant 0 : i32
        %dma_wait3A_316 = tpu.memref_slice %arg4[%add3A, %add3A_248, %dma_wait3A_314, %dma_wait3A_315] : memref<32x200x128x64xf32, #tpu.memory_space<hbm>> -> memref<1x1x128x64xf32, #tpu.memory_space<hbm>>
        %dma_wait3A_317 = tpu.memref_squeeze %dma_wait3A_316 : memref<1x1x128x64xf32, #tpu.memory_space<hbm>> -> memref<128x64xf32, #tpu.memory_space<hbm>>
        %dma_wait3A_318 = arith.constant 0 : i32
        %dma_wait3A_319 = arith.constant 0 : i32
        %dma_wait3A_320 = tpu.memref_slice %arg4[%add3A, %add3A_248, %dma_wait3A_318, %dma_wait3A_319] : memref<32x200x128x64xf32, #tpu.memory_space<hbm>> -> memref<1x1x128x64xf32, #tpu.memory_space<hbm>>
        %dma_wait3A_321 = tpu.memref_squeeze %dma_wait3A_320 : memref<1x1x128x64xf32, #tpu.memory_space<hbm>> -> memref<128x64xf32, #tpu.memory_space<hbm>>
        tpu.wait_dma2 semaphore(%arg27 : memref<!tpu.dma_semaphore, #tpu.memory_space<semaphore_mem>>) src(%arg11 : memref<128x64xf32, #tpu.memory_space<vmem>>) dst(%dma_wait3A_321 : memref<128x64xf32, #tpu.memory_space<hbm>>)
        %add3A_322 = arith.constant 8 : i32
        %add3A_323 = arith.addi %add3A_248, %add3A_322 : i32
        %dma_start3A_324 = arith.constant 0 : i32
        %dma_start3A_325 = tpu.memref_slice %arg5[%add3A_323, %dma_start3A_324] : memref<200x128xi32, #tpu.memory_space<vmem>> -> memref<1x128xi32, #tpu.memory_space<vmem>>
        %dma_start3A_326 = tpu.memref_squeeze %dma_start3A_325 : memref<1x128xi32, #tpu.memory_space<vmem>> -> memref<128xi32, #tpu.memory_space<vmem>>
        %dma_start3A_327 = arith.constant 0 : i32
        %dma_start3A_328 = arith.constant 0 : i32
        %dma_start3A_329 = tpu.memref_slice %arg2[%dma_start3A_327, %dma_start3A_328] : memref<1000000x64xf32, #tpu.memory_space<hbm>> -> memref<1000000x64xf32, #tpu.memory_space<hbm>>
        tpu.enqueue_indirect_dma source(%dma_start3A_329 : memref<1000000x64xf32, #tpu.memory_space<hbm>>) target(%arg11 : memref<128x64xf32, #tpu.memory_space<vmem>>) offsets(%dma_start3A_326 : memref<128xi32, #tpu.memory_space<vmem>>) semaphore(%arg19 : memref<!tpu.dma_semaphore, #tpu.memory_space<semaphore_mem>>)
      } else {
      }
      %mul3A_268 = arith.constant 8 : i32
      %mul3A_269 = arith.muli %scan3A_132, %mul3A_268 : i32
      %add3A_270 = arith.constant 6 : i32
      %add3A_271 = arith.addi %mul3A_269, %add3A_270 : i32
      %dma_wait3A_272 = arith.constant 0 : i32
      %dma_wait3A_273 = tpu.memref_slice %arg5[%add3A_271, %dma_wait3A_272] : memref<200x128xi32, #tpu.memory_space<vmem>> -> memref<1x128xi32, #tpu.memory_space<vmem>>
      %dma_wait3A_274 = tpu.memref_squeeze %dma_wait3A_273 : memref<1x128xi32, #tpu.memory_space<vmem>> -> memref<128xi32, #tpu.memory_space<vmem>>
      %dma_wait3A_275 = arith.constant 0 : i32
      %dma_wait3A_276 = arith.constant 0 : i32
      %dma_wait3A_277 = tpu.memref_slice %arg2[%dma_wait3A_275, %dma_wait3A_276] : memref<1000000x64xf32, #tpu.memory_space<hbm>> -> memref<1000000x64xf32, #tpu.memory_space<hbm>>
      tpu.wait_indirect_dma semaphore(%arg20 : memref<!tpu.dma_semaphore, #tpu.memory_space<semaphore_mem>>) src(%dma_wait3A_277 : memref<1000000x64xf32, #tpu.memory_space<hbm>>) dst(%arg12 : memref<128x64xf32, #tpu.memory_space<vmem>>)
      %dma_start3A_278 = arith.constant 0 : i32
      %dma_start3A_279 = arith.constant 0 : i32
      %dma_start3A_280 = tpu.memref_slice %arg4[%add3A, %add3A_271, %dma_start3A_278, %dma_start3A_279] : memref<32x200x128x64xf32, #tpu.memory_space<hbm>> -> memref<1x1x128x64xf32, #tpu.memory_space<hbm>>
      %dma_start3A_281 = tpu.memref_squeeze %dma_start3A_280 : memref<1x1x128x64xf32, #tpu.memory_space<hbm>> -> memref<128x64xf32, #tpu.memory_space<hbm>>
      %dma_start3A_282 = arith.constant 0 : i32
      %dma_start3A_283 = arith.constant 0 : i32
      %dma_start3A_284 = tpu.memref_slice %arg4[%add3A, %add3A_271, %dma_start3A_282, %dma_start3A_283] : memref<32x200x128x64xf32, #tpu.memory_space<hbm>> -> memref<1x1x128x64xf32, #tpu.memory_space<hbm>>
      %dma_start3A_285 = tpu.memref_squeeze %dma_start3A_284 : memref<1x1x128x64xf32, #tpu.memory_space<hbm>> -> memref<128x64xf32, #tpu.memory_space<hbm>>
      tpu.enqueue_dma source(%arg12 : memref<128x64xf32, #tpu.memory_space<vmem>>) target(%dma_start3A_285 : memref<128x64xf32, #tpu.memory_space<hbm>>) target_semaphore(%arg28 : memref<!tpu.dma_semaphore, #tpu.memory_space<semaphore_mem>>)
      %lt3A_286 = arith.constant 24 : i32
      %lt3A_287 = arith.cmpi slt, %scan3A_132, %lt3A_286 : i32
      %convert_element_type3A_288 = arith.extui %lt3A_287 : i1 to i32
      %cond3A_289 = arith.constant 0 : i32
      %cond3A_290 = arith.cmpi ne, %convert_element_type3A_288, %cond3A_289 : i32
      scf.if %cond3A_290 {
        %dma_wait3A_314 = arith.constant 0 : i32
        %dma_wait3A_315 = arith.constant 0 : i32
        %dma_wait3A_316 = tpu.memref_slice %arg4[%add3A, %add3A_271, %dma_wait3A_314, %dma_wait3A_315] : memref<32x200x128x64xf32, #tpu.memory_space<hbm>> -> memref<1x1x128x64xf32, #tpu.memory_space<hbm>>
        %dma_wait3A_317 = tpu.memref_squeeze %dma_wait3A_316 : memref<1x1x128x64xf32, #tpu.memory_space<hbm>> -> memref<128x64xf32, #tpu.memory_space<hbm>>
        %dma_wait3A_318 = arith.constant 0 : i32
        %dma_wait3A_319 = arith.constant 0 : i32
        %dma_wait3A_320 = tpu.memref_slice %arg4[%add3A, %add3A_271, %dma_wait3A_318, %dma_wait3A_319] : memref<32x200x128x64xf32, #tpu.memory_space<hbm>> -> memref<1x1x128x64xf32, #tpu.memory_space<hbm>>
        %dma_wait3A_321 = tpu.memref_squeeze %dma_wait3A_320 : memref<1x1x128x64xf32, #tpu.memory_space<hbm>> -> memref<128x64xf32, #tpu.memory_space<hbm>>
        tpu.wait_dma2 semaphore(%arg28 : memref<!tpu.dma_semaphore, #tpu.memory_space<semaphore_mem>>) src(%arg12 : memref<128x64xf32, #tpu.memory_space<vmem>>) dst(%dma_wait3A_321 : memref<128x64xf32, #tpu.memory_space<hbm>>)
        %add3A_322 = arith.constant 8 : i32
        %add3A_323 = arith.addi %add3A_271, %add3A_322 : i32
        %dma_start3A_324 = arith.constant 0 : i32
        %dma_start3A_325 = tpu.memref_slice %arg5[%add3A_323, %dma_start3A_324] : memref<200x128xi32, #tpu.memory_space<vmem>> -> memref<1x128xi32, #tpu.memory_space<vmem>>
        %dma_start3A_326 = tpu.memref_squeeze %dma_start3A_325 : memref<1x128xi32, #tpu.memory_space<vmem>> -> memref<128xi32, #tpu.memory_space<vmem>>
        %dma_start3A_327 = arith.constant 0 : i32
        %dma_start3A_328 = arith.constant 0 : i32
        %dma_start3A_329 = tpu.memref_slice %arg2[%dma_start3A_327, %dma_start3A_328] : memref<1000000x64xf32, #tpu.memory_space<hbm>> -> memref<1000000x64xf32, #tpu.memory_space<hbm>>
        tpu.enqueue_indirect_dma source(%dma_start3A_329 : memref<1000000x64xf32, #tpu.memory_space<hbm>>) target(%arg12 : memref<128x64xf32, #tpu.memory_space<vmem>>) offsets(%dma_start3A_326 : memref<128xi32, #tpu.memory_space<vmem>>) semaphore(%arg20 : memref<!tpu.dma_semaphore, #tpu.memory_space<semaphore_mem>>)
      } else {
      }
      %mul3A_291 = arith.constant 8 : i32
      %mul3A_292 = arith.muli %scan3A_132, %mul3A_291 : i32
      %add3A_293 = arith.constant 7 : i32
      %add3A_294 = arith.addi %mul3A_292, %add3A_293 : i32
      %dma_wait3A_295 = arith.constant 0 : i32
      %dma_wait3A_296 = tpu.memref_slice %arg5[%add3A_294, %dma_wait3A_295] : memref<200x128xi32, #tpu.memory_space<vmem>> -> memref<1x128xi32, #tpu.memory_space<vmem>>
      %dma_wait3A_297 = tpu.memref_squeeze %dma_wait3A_296 : memref<1x128xi32, #tpu.memory_space<vmem>> -> memref<128xi32, #tpu.memory_space<vmem>>
      %dma_wait3A_298 = arith.constant 0 : i32
      %dma_wait3A_299 = arith.constant 0 : i32
      %dma_wait3A_300 = tpu.memref_slice %arg2[%dma_wait3A_298, %dma_wait3A_299] : memref<1000000x64xf32, #tpu.memory_space<hbm>> -> memref<1000000x64xf32, #tpu.memory_space<hbm>>
      tpu.wait_indirect_dma semaphore(%arg21 : memref<!tpu.dma_semaphore, #tpu.memory_space<semaphore_mem>>) src(%dma_wait3A_300 : memref<1000000x64xf32, #tpu.memory_space<hbm>>) dst(%arg13 : memref<128x64xf32, #tpu.memory_space<vmem>>)
      %dma_start3A_301 = arith.constant 0 : i32
      %dma_start3A_302 = arith.constant 0 : i32
      %dma_start3A_303 = tpu.memref_slice %arg4[%add3A, %add3A_294, %dma_start3A_301, %dma_start3A_302] : memref<32x200x128x64xf32, #tpu.memory_space<hbm>> -> memref<1x1x128x64xf32, #tpu.memory_space<hbm>>
      %dma_start3A_304 = tpu.memref_squeeze %dma_start3A_303 : memref<1x1x128x64xf32, #tpu.memory_space<hbm>> -> memref<128x64xf32, #tpu.memory_space<hbm>>
      %dma_start3A_305 = arith.constant 0 : i32
      %dma_start3A_306 = arith.constant 0 : i32
      %dma_start3A_307 = tpu.memref_slice %arg4[%add3A, %add3A_294, %dma_start3A_305, %dma_start3A_306] : memref<32x200x128x64xf32, #tpu.memory_space<hbm>> -> memref<1x1x128x64xf32, #tpu.memory_space<hbm>>
      %dma_start3A_308 = tpu.memref_squeeze %dma_start3A_307 : memref<1x1x128x64xf32, #tpu.memory_space<hbm>> -> memref<128x64xf32, #tpu.memory_space<hbm>>
      tpu.enqueue_dma source(%arg13 : memref<128x64xf32, #tpu.memory_space<vmem>>) target(%dma_start3A_308 : memref<128x64xf32, #tpu.memory_space<hbm>>) target_semaphore(%arg29 : memref<!tpu.dma_semaphore, #tpu.memory_space<semaphore_mem>>)
      %lt3A_309 = arith.constant 24 : i32
      %lt3A_310 = arith.cmpi slt, %scan3A_132, %lt3A_309 : i32
      %convert_element_type3A_311 = arith.extui %lt3A_310 : i1 to i32
      %cond3A_312 = arith.constant 0 : i32
      %cond3A_313 = arith.cmpi ne, %convert_element_type3A_311, %cond3A_312 : i32
      scf.if %cond3A_313 {
        %dma_wait3A_314 = arith.constant 0 : i32
        %dma_wait3A_315 = arith.constant 0 : i32
        %dma_wait3A_316 = tpu.memref_slice %arg4[%add3A, %add3A_294, %dma_wait3A_314, %dma_wait3A_315] : memref<32x200x128x64xf32, #tpu.memory_space<hbm>> -> memref<1x1x128x64xf32, #tpu.memory_space<hbm>>
        %dma_wait3A_317 = tpu.memref_squeeze %dma_wait3A_316 : memref<1x1x128x64xf32, #tpu.memory_space<hbm>> -> memref<128x64xf32, #tpu.memory_space<hbm>>
        %dma_wait3A_318 = arith.constant 0 : i32
        %dma_wait3A_319 = arith.constant 0 : i32
        %dma_wait3A_320 = tpu.memref_slice %arg4[%add3A, %add3A_294, %dma_wait3A_318, %dma_wait3A_319] : memref<32x200x128x64xf32, #tpu.memory_space<hbm>> -> memref<1x1x128x64xf32, #tpu.memory_space<hbm>>
        %dma_wait3A_321 = tpu.memref_squeeze %dma_wait3A_320 : memref<1x1x128x64xf32, #tpu.memory_space<hbm>> -> memref<128x64xf32, #tpu.memory_space<hbm>>
        tpu.wait_dma2 semaphore(%arg29 : memref<!tpu.dma_semaphore, #tpu.memory_space<semaphore_mem>>) src(%arg13 : memref<128x64xf32, #tpu.memory_space<vmem>>) dst(%dma_wait3A_321 : memref<128x64xf32, #tpu.memory_space<hbm>>)
        %add3A_322 = arith.constant 8 : i32
        %add3A_323 = arith.addi %add3A_294, %add3A_322 : i32
        %dma_start3A_324 = arith.constant 0 : i32
        %dma_start3A_325 = tpu.memref_slice %arg5[%add3A_323, %dma_start3A_324] : memref<200x128xi32, #tpu.memory_space<vmem>> -> memref<1x128xi32, #tpu.memory_space<vmem>>
        %dma_start3A_326 = tpu.memref_squeeze %dma_start3A_325 : memref<1x128xi32, #tpu.memory_space<vmem>> -> memref<128xi32, #tpu.memory_space<vmem>>
        %dma_start3A_327 = arith.constant 0 : i32
        %dma_start3A_328 = arith.constant 0 : i32
        %dma_start3A_329 = tpu.memref_slice %arg2[%dma_start3A_327, %dma_start3A_328] : memref<1000000x64xf32, #tpu.memory_space<hbm>> -> memref<1000000x64xf32, #tpu.memory_space<hbm>>
        tpu.enqueue_indirect_dma source(%dma_start3A_329 : memref<1000000x64xf32, #tpu.memory_space<hbm>>) target(%arg13 : memref<128x64xf32, #tpu.memory_space<vmem>>) offsets(%dma_start3A_326 : memref<128xi32, #tpu.memory_space<vmem>>) semaphore(%arg21 : memref<!tpu.dma_semaphore, #tpu.memory_space<semaphore_mem>>)
      } else {
      }
    }
    %scan3A_60 = arith.constant 25 : i32
    %dma_wait3A = arith.constant 192 : i32
    %dma_wait3A_61 = arith.constant 0 : i32
    %dma_wait3A_62 = arith.constant 0 : i32
    %dma_wait3A_63 = tpu.memref_slice %arg4[%add3A, %dma_wait3A, %dma_wait3A_61, %dma_wait3A_62] : memref<32x200x128x64xf32, #tpu.memory_space<hbm>> -> memref<1x1x128x64xf32, #tpu.memory_space<hbm>>
    %dma_wait3A_64 = tpu.memref_squeeze %dma_wait3A_63 : memref<1x1x128x64xf32, #tpu.memory_space<hbm>> -> memref<128x64xf32, #tpu.memory_space<hbm>>
    %dma_wait3A_65 = arith.constant 0 : i32
    %dma_wait3A_66 = arith.constant 0 : i32
    %dma_wait3A_67 = tpu.memref_slice %arg4[%add3A, %dma_wait3A, %dma_wait3A_65, %dma_wait3A_66] : memref<32x200x128x64xf32, #tpu.memory_space<hbm>> -> memref<1x1x128x64xf32, #tpu.memory_space<hbm>>
    %dma_wait3A_68 = tpu.memref_squeeze %dma_wait3A_67 : memref<1x1x128x64xf32, #tpu.memory_space<hbm>> -> memref<128x64xf32, #tpu.memory_space<hbm>>
    tpu.wait_dma2 semaphore(%arg22 : memref<!tpu.dma_semaphore, #tpu.memory_space<semaphore_mem>>) src(%arg6 : memref<128x64xf32, #tpu.memory_space<vmem>>) dst(%dma_wait3A_68 : memref<128x64xf32, #tpu.memory_space<hbm>>)
    %dma_wait3A_69 = arith.constant 193 : i32
    %dma_wait3A_70 = arith.constant 0 : i32
    %dma_wait3A_71 = arith.constant 0 : i32
    %dma_wait3A_72 = tpu.memref_slice %arg4[%add3A, %dma_wait3A_69, %dma_wait3A_70, %dma_wait3A_71] : memref<32x200x128x64xf32, #tpu.memory_space<hbm>> -> memref<1x1x128x64xf32, #tpu.memory_space<hbm>>
    %dma_wait3A_73 = tpu.memref_squeeze %dma_wait3A_72 : memref<1x1x128x64xf32, #tpu.memory_space<hbm>> -> memref<128x64xf32, #tpu.memory_space<hbm>>
    %dma_wait3A_74 = arith.constant 0 : i32
    %dma_wait3A_75 = arith.constant 0 : i32
    %dma_wait3A_76 = tpu.memref_slice %arg4[%add3A, %dma_wait3A_69, %dma_wait3A_74, %dma_wait3A_75] : memref<32x200x128x64xf32, #tpu.memory_space<hbm>> -> memref<1x1x128x64xf32, #tpu.memory_space<hbm>>
    %dma_wait3A_77 = tpu.memref_squeeze %dma_wait3A_76 : memref<1x1x128x64xf32, #tpu.memory_space<hbm>> -> memref<128x64xf32, #tpu.memory_space<hbm>>
    tpu.wait_dma2 semaphore(%arg23 : memref<!tpu.dma_semaphore, #tpu.memory_space<semaphore_mem>>) src(%arg7 : memref<128x64xf32, #tpu.memory_space<vmem>>) dst(%dma_wait3A_77 : memref<128x64xf32, #tpu.memory_space<hbm>>)
    %dma_wait3A_78 = arith.constant 194 : i32
    %dma_wait3A_79 = arith.constant 0 : i32
    %dma_wait3A_80 = arith.constant 0 : i32
    %dma_wait3A_81 = tpu.memref_slice %arg4[%add3A, %dma_wait3A_78, %dma_wait3A_79, %dma_wait3A_80] : memref<32x200x128x64xf32, #tpu.memory_space<hbm>> -> memref<1x1x128x64xf32, #tpu.memory_space<hbm>>
    %dma_wait3A_82 = tpu.memref_squeeze %dma_wait3A_81 : memref<1x1x128x64xf32, #tpu.memory_space<hbm>> -> memref<128x64xf32, #tpu.memory_space<hbm>>
    %dma_wait3A_83 = arith.constant 0 : i32
    %dma_wait3A_84 = arith.constant 0 : i32
    %dma_wait3A_85 = tpu.memref_slice %arg4[%add3A, %dma_wait3A_78, %dma_wait3A_83, %dma_wait3A_84] : memref<32x200x128x64xf32, #tpu.memory_space<hbm>> -> memref<1x1x128x64xf32, #tpu.memory_space<hbm>>
    %dma_wait3A_86 = tpu.memref_squeeze %dma_wait3A_85 : memref<1x1x128x64xf32, #tpu.memory_space<hbm>> -> memref<128x64xf32, #tpu.memory_space<hbm>>
    tpu.wait_dma2 semaphore(%arg24 : memref<!tpu.dma_semaphore, #tpu.memory_space<semaphore_mem>>) src(%arg8 : memref<128x64xf32, #tpu.memory_space<vmem>>) dst(%dma_wait3A_86 : memref<128x64xf32, #tpu.memory_space<hbm>>)
    %dma_wait3A_87 = arith.constant 195 : i32
    %dma_wait3A_88 = arith.constant 0 : i32
    %dma_wait3A_89 = arith.constant 0 : i32
    %dma_wait3A_90 = tpu.memref_slice %arg4[%add3A, %dma_wait3A_87, %dma_wait3A_88, %dma_wait3A_89] : memref<32x200x128x64xf32, #tpu.memory_space<hbm>> -> memref<1x1x128x64xf32, #tpu.memory_space<hbm>>
    %dma_wait3A_91 = tpu.memref_squeeze %dma_wait3A_90 : memref<1x1x128x64xf32, #tpu.memory_space<hbm>> -> memref<128x64xf32, #tpu.memory_space<hbm>>
    %dma_wait3A_92 = arith.constant 0 : i32
    %dma_wait3A_93 = arith.constant 0 : i32
    %dma_wait3A_94 = tpu.memref_slice %arg4[%add3A, %dma_wait3A_87, %dma_wait3A_92, %dma_wait3A_93] : memref<32x200x128x64xf32, #tpu.memory_space<hbm>> -> memref<1x1x128x64xf32, #tpu.memory_space<hbm>>
    %dma_wait3A_95 = tpu.memref_squeeze %dma_wait3A_94 : memref<1x1x128x64xf32, #tpu.memory_space<hbm>> -> memref<128x64xf32, #tpu.memory_space<hbm>>
    tpu.wait_dma2 semaphore(%arg25 : memref<!tpu.dma_semaphore, #tpu.memory_space<semaphore_mem>>) src(%arg9 : memref<128x64xf32, #tpu.memory_space<vmem>>) dst(%dma_wait3A_95 : memref<128x64xf32, #tpu.memory_space<hbm>>)
    %dma_wait3A_96 = arith.constant 196 : i32
    %dma_wait3A_97 = arith.constant 0 : i32
    %dma_wait3A_98 = arith.constant 0 : i32
    %dma_wait3A_99 = tpu.memref_slice %arg4[%add3A, %dma_wait3A_96, %dma_wait3A_97, %dma_wait3A_98] : memref<32x200x128x64xf32, #tpu.memory_space<hbm>> -> memref<1x1x128x64xf32, #tpu.memory_space<hbm>>
    %dma_wait3A_100 = tpu.memref_squeeze %dma_wait3A_99 : memref<1x1x128x64xf32, #tpu.memory_space<hbm>> -> memref<128x64xf32, #tpu.memory_space<hbm>>
    %dma_wait3A_101 = arith.constant 0 : i32
    %dma_wait3A_102 = arith.constant 0 : i32
    %dma_wait3A_103 = tpu.memref_slice %arg4[%add3A, %dma_wait3A_96, %dma_wait3A_101, %dma_wait3A_102] : memref<32x200x128x64xf32, #tpu.memory_space<hbm>> -> memref<1x1x128x64xf32, #tpu.memory_space<hbm>>
    %dma_wait3A_104 = tpu.memref_squeeze %dma_wait3A_103 : memref<1x1x128x64xf32, #tpu.memory_space<hbm>> -> memref<128x64xf32, #tpu.memory_space<hbm>>
    tpu.wait_dma2 semaphore(%arg26 : memref<!tpu.dma_semaphore, #tpu.memory_space<semaphore_mem>>) src(%arg10 : memref<128x64xf32, #tpu.memory_space<vmem>>) dst(%dma_wait3A_104 : memref<128x64xf32, #tpu.memory_space<hbm>>)
    %dma_wait3A_105 = arith.constant 197 : i32
    %dma_wait3A_106 = arith.constant 0 : i32
    %dma_wait3A_107 = arith.constant 0 : i32
    %dma_wait3A_108 = tpu.memref_slice %arg4[%add3A, %dma_wait3A_105, %dma_wait3A_106, %dma_wait3A_107] : memref<32x200x128x64xf32, #tpu.memory_space<hbm>> -> memref<1x1x128x64xf32, #tpu.memory_space<hbm>>
    %dma_wait3A_109 = tpu.memref_squeeze %dma_wait3A_108 : memref<1x1x128x64xf32, #tpu.memory_space<hbm>> -> memref<128x64xf32, #tpu.memory_space<hbm>>
    %dma_wait3A_110 = arith.constant 0 : i32
    %dma_wait3A_111 = arith.constant 0 : i32
    %dma_wait3A_112 = tpu.memref_slice %arg4[%add3A, %dma_wait3A_105, %dma_wait3A_110, %dma_wait3A_111] : memref<32x200x128x64xf32, #tpu.memory_space<hbm>> -> memref<1x1x128x64xf32, #tpu.memory_space<hbm>>
    %dma_wait3A_113 = tpu.memref_squeeze %dma_wait3A_112 : memref<1x1x128x64xf32, #tpu.memory_space<hbm>> -> memref<128x64xf32, #tpu.memory_space<hbm>>
    tpu.wait_dma2 semaphore(%arg27 : memref<!tpu.dma_semaphore, #tpu.memory_space<semaphore_mem>>) src(%arg11 : memref<128x64xf32, #tpu.memory_space<vmem>>) dst(%dma_wait3A_113 : memref<128x64xf32, #tpu.memory_space<hbm>>)
    %dma_wait3A_114 = arith.constant 198 : i32
    %dma_wait3A_115 = arith.constant 0 : i32
    %dma_wait3A_116 = arith.constant 0 : i32
    %dma_wait3A_117 = tpu.memref_slice %arg4[%add3A, %dma_wait3A_114, %dma_wait3A_115, %dma_wait3A_116] : memref<32x200x128x64xf32, #tpu.memory_space<hbm>> -> memref<1x1x128x64xf32, #tpu.memory_space<hbm>>
    %dma_wait3A_118 = tpu.memref_squeeze %dma_wait3A_117 : memref<1x1x128x64xf32, #tpu.memory_space<hbm>> -> memref<128x64xf32, #tpu.memory_space<hbm>>
    %dma_wait3A_119 = arith.constant 0 : i32
    %dma_wait3A_120 = arith.constant 0 : i32
    %dma_wait3A_121 = tpu.memref_slice %arg4[%add3A, %dma_wait3A_114, %dma_wait3A_119, %dma_wait3A_120] : memref<32x200x128x64xf32, #tpu.memory_space<hbm>> -> memref<1x1x128x64xf32, #tpu.memory_space<hbm>>
    %dma_wait3A_122 = tpu.memref_squeeze %dma_wait3A_121 : memref<1x1x128x64xf32, #tpu.memory_space<hbm>> -> memref<128x64xf32, #tpu.memory_space<hbm>>
    tpu.wait_dma2 semaphore(%arg28 : memref<!tpu.dma_semaphore, #tpu.memory_space<semaphore_mem>>) src(%arg12 : memref<128x64xf32, #tpu.memory_space<vmem>>) dst(%dma_wait3A_122 : memref<128x64xf32, #tpu.memory_space<hbm>>)
    %dma_wait3A_123 = arith.constant 199 : i32
    %dma_wait3A_124 = arith.constant 0 : i32
    %dma_wait3A_125 = arith.constant 0 : i32
    %dma_wait3A_126 = tpu.memref_slice %arg4[%add3A, %dma_wait3A_123, %dma_wait3A_124, %dma_wait3A_125] : memref<32x200x128x64xf32, #tpu.memory_space<hbm>> -> memref<1x1x128x64xf32, #tpu.memory_space<hbm>>
    %dma_wait3A_127 = tpu.memref_squeeze %dma_wait3A_126 : memref<1x1x128x64xf32, #tpu.memory_space<hbm>> -> memref<128x64xf32, #tpu.memory_space<hbm>>
    %dma_wait3A_128 = arith.constant 0 : i32
    %dma_wait3A_129 = arith.constant 0 : i32
    %dma_wait3A_130 = tpu.memref_slice %arg4[%add3A, %dma_wait3A_123, %dma_wait3A_128, %dma_wait3A_129] : memref<32x200x128x64xf32, #tpu.memory_space<hbm>> -> memref<1x1x128x64xf32, #tpu.memory_space<hbm>>
    %dma_wait3A_131 = tpu.memref_squeeze %dma_wait3A_130 : memref<1x1x128x64xf32, #tpu.memory_space<hbm>> -> memref<128x64xf32, #tpu.memory_space<hbm>>
    tpu.wait_dma2 semaphore(%arg29 : memref<!tpu.dma_semaphore, #tpu.memory_space<semaphore_mem>>) src(%arg13 : memref<128x64xf32, #tpu.memory_space<vmem>>) dst(%dma_wait3A_131 : memref<128x64xf32, #tpu.memory_space<hbm>>)
    return
  }
}

</mosaic_0001>

<sc_bundles>
// kernel: kernel.3.cloned.1.call-start
scs
__scs_entry_jumppad:
0x0: {  	(pc) =	sbr.rel $0x88, $3  }
0x1: {  	(tag) =	ssettag $0x0;
	lr =	simm.s32 $0x1  }
0x2: {  	[smem:$0x3F9F] =	sst lr;
	_ =	strace $0xD0000000  }
0x3: {  	_ = 	snop  }
0x4: {  	_ = 	snop  }
0x5: {  	_ = 	snop  }
0x6: {  	_ = 	snop  }
0x7: {  	_ = 	snop  }
__scs_overlays_trampoline_lowered:
0x8: {  	[smem:$0x3FAE] =	sst s0  }
0x9: {  	[smem:$0x3FAF] =	sst s1  }
0xa: {  	[smem:$0x3FB0] =	sst s2  }
0xb: {  	[smem:$0x3FB1] =	sst s3  }
0xc: {  	[smem:$0x3FB2] =	sst s4  }
0xd: {  	[smem:$0x3FB3] =	sst s5  }
0xe: {  	[smem:$0x3FB4] =	sst s6  }
0xf: {  	[smem:$0x3FB5] =	sst s7  }
0x10: {  	[smem:$0x3FB6] =	sst s8  }
0x11: {  	[smem:$0x3FB7] =	sst s9;
	s0 =	simm.s32 @!p0 $0x0  }
0x12: {  	s1 =	sld [smem:$0x3F9D];
	s0 =	simm.s32 @p0 $0x1  }
0x13: {  	[smem:$0x3FB8] =	sst s0;
	s0 =	simm.s32 @!p1 $0x0  }
0x14: {  	s2 =	sld [smem:$0x3F9C];
	s0 =	simm.s32 @p1 $0x1  }
0x15: {  	[smem:$0x3FB9] =	sst s0;
	s0 =	simm.s32 @!p2 $0x0  }
0x16: {  	s3 =	sld [smem:$0x3FDB];
	s0 =	simm.s32 @p2 $0x1  }
0x17: {  	s4 =	simm.s32 $0x1BF5;
	[smem:$0x3FBB] =	sst s0  }
0x18: {  	s0 =	sld [smem:$0x3F9E];
	_ =	swait.ge [sflag:s4], $0x0  }
0x19: {  	s7 =	sld [smem:$0x3F9F]  }
0x1a: {  	s8 =	sadd.s32 $0xFFFFE003, lr  }
0x1b: {  	s9 =	sadd.s32 $0xFFFFFEF7, lr;
	s5 =	simm.s32 $0xFFFFFFFF;
	p2 =	slt.u32 s8, $0xFFFFF086  }
0x1c: {  	p1 =	slt.u32 s9, $0xF7A;
	s5 =	simm.s32 @!p2 $0x0  }
0x1d: {  	s5 =	simm.s32 @p1 $0x1;
	p0 =	seq.s32 s7, s2  }
0x1e: {  	s7 =	smul.u32 @!p0 $0xF7A, s2;
	p2 =	seq.s32 @!p0 s5, $0x0  }
0x1f: {  	s9 =	smul.u32 $0xF7A, s1;
	s8 =	simm.s32 @!p0 $0x1BF5;
	p2 =	por !p2, p0  }
0x20: {  	[sflag:s8] =	ssyncset.s32 @!p0 $0xFFFFF086;
	s6 =	sadd.s32 @!p0 s3, s7;
	s7 =	simm.s32 @!p0 $0x108  }
0x21: {  	s3 =	sadd.s32 s3, s9;
	s6 =	sadd.s32 @!p0 $0x88, s6;
	s7 =	simm.s32 @p2 $0x1082  }
0x22: {  	[simem:s7], [sflag:s8] =	dma.local @!p0 [hbm:s6], $0xF7A  }
0x23: {  	s9 =	sor.u32 $0xD0000000, s2;
	s6 =	simm.s32 $0x108;
	_ =	swait.ge @!p0 [sflag:s8], $0x0  }
0x24: {  	s3 =	sadd.s32 $0x88, s3;
	s6 =	simm.s32 @!p1 $0x1082;
	[sflag:s4] =	ssyncset.s32 $0xFFFFF086  }
0x25: {  	[simem:s6], [sflag:s4] =	dma.local [hbm:s3], $0xF7A  }
0x26: {  	[smem:$0x3F9F] =	sst s1;
	(tag) =	ssettag s2;
	_ =	strace s9  }
0x27: {  	s1 =	sld [smem:$0x3FAF]  }
0x28: {  	s2 =	sld [smem:$0x3FB0]  }
0x29: {  	s4 =	sld [smem:$0x3FB2]  }
0x2a: {  	p0 =	seq.s32 s5, $0x0;
	s5 =	sld [smem:$0x3FB3]  }
0x2b: {  	s6 =	sld [smem:$0x3FB4]  }
0x2c: {  	s7 =	sld [smem:$0x3FB5]  }
0x2d: {  	s3 =	simm.s32 $0x108;
	s8 =	sld [smem:$0x3FB6]  }
0x2e: {  	s3 =	simm.s32 @!p0 $0x1082;
	s9 =	sld [smem:$0x3FB7]  }
0x2f: {  	lr =	sadd.s32 s0, s3;
	s0 =	sld [smem:$0x3FAE]  }
0x30: {  	s3 =	sld [smem:$0x3FB1]  }
0x31: {  	[smem:$0x3FBA] =	sst s10  }
0x32: {  	s10 =	sld [smem:$0x3FB8];
	_ =	sdelay $0x3  }
0x33: {  	p0 =	seq.s32 s10, $0x1;
	s10 =	sld [smem:$0x3FBA];
	_ =	sdelay $0x3  }
0x34: {  	[smem:$0x3FBA] =	sst s10  }
0x35: {  	s10 =	sld [smem:$0x3FB9];
	_ =	sdelay $0x3  }
0x36: {  	p1 =	seq.s32 s10, $0x1;
	s10 =	sld [smem:$0x3FBA];
	_ =	sdelay $0x3  }
0x37: {  	[smem:$0x3FBA] =	sst s10  }
0x38: {  	s10 =	sld [smem:$0x3FBB]  }
0x39: {  	_ = 	snop;
	(pc) =	sbr.ind lr, $3  }
0x3a: {  	_ = 	snop  }
0x3b: {  	_ = 	snop  }
0x3c: {  	p2 =	seq.s32 s10, $0x1;
	s10 =	sld [smem:$0x3FBA]  }
0x3d: {  	_ =	shalt  }
0x3e: {  	_ =	shalt  }
0x3f: {  	_ =	shalt  }
0x40: {  	_ =	shalt  }
0x41: {  	_ =	shalt  }
0x42: {  	_ =	shalt  }
0x43: {  	_ =	shalt  }
0x44: {  	_ =	shalt  }
0x45: {  	_ =	shalt  }
0x46: {  	_ =	shalt  }
0x47: {  	_ =	shalt  }
0x48: {  	_ =	shalt  }
0x49: {  	_ =	shalt  }
0x4a: {  	_ =	shalt  }
0x4b: {  	_ =	shalt  }
0x4c: {  	_ =	shalt  }
0x4d: {  	_ =	shalt  }
0x4e: {  	_ =	shalt  }
0x4f: {  	_ =	shalt  }
0x50: {  	_ =	shalt  }
0x51: {  	_ =	shalt  }
0x52: {  	_ =	shalt  }
0x53: {  	_ =	shalt  }
0x54: {  	_ =	shalt  }
0x55: {  	_ =	shalt  }
0x56: {  	_ =	shalt  }
0x57: {  	_ =	shalt  }
0x58: {  	_ =	shalt  }
0x59: {  	_ =	shalt  }
0x5a: {  	_ =	shalt  }
0x5b: {  	_ =	shalt  }
0x5c: {  	_ =	shalt  }
0x5d: {  	_ =	shalt  }
0x5e: {  	_ =	shalt  }
0x5f: {  	_ =	shalt  }
0x60: {  	_ =	shalt  }
0x61: {  	_ =	shalt  }
0x62: {  	_ =	shalt  }
0x63: {  	_ =	shalt  }
0x64: {  	_ =	shalt  }
0x65: {  	_ =	shalt  }
0x66: {  	_ =	shalt  }
0x67: {  	_ =	shalt  }
0x68: {  	_ =	shalt  }
0x69: {  	_ =	shalt  }
0x6a: {  	_ =	shalt  }
0x6b: {  	_ =	shalt  }
0x6c: {  	_ =	shalt  }
0x6d: {  	_ =	shalt  }
0x6e: {  	_ =	shalt  }
0x6f: {  	_ =	shalt  }
0x70: {  	_ =	shalt  }
0x71: {  	_ =	shalt  }
0x72: {  	_ =	shalt  }
0x73: {  	_ =	shalt  }
0x74: {  	_ =	shalt  }
0x75: {  	_ =	shalt  }
0x76: {  	_ =	shalt  }
0x77: {  	_ =	shalt  }
0x78: {  	_ =	shalt  }
0x79: {  	_ =	shalt  }
0x7a: {  	_ =	shalt  }
0x7b: {  	_ =	shalt  }
0x7c: {  	_ =	shalt  }
0x7d: {  	_ =	shalt  }
0x7e: {  	_ =	shalt  }
0x7f: {  	_ =	shalt  }
0x80: {  	_ =	shalt  }
0x81: {  	_ =	shalt  }
0x82: {  	_ =	shalt  }
0x83: {  	_ =	shalt  }
0x84: {  	_ =	shalt  }
0x85: {  	_ =	shalt  }
0x86: {  	_ =	shalt  }
0x87: {  	_ =	shalt  }
.Lfunc_end0:
.L_simem_size_0:
called_computation.1_lowered:
.L_overlay_start_0:
0x88: {  	s2 =	sld [smem:$0x3FD9]  }
0x89: {  	s3 =	sld [smem:$0x3FFE];
	_ =	sdelay $0x1  }
0x8a: {  	s1 =	srdreg.scid  }
0x8b: {  	s0 =	sand.u32 $0x1, s1  }
0x8c: {  	s17 =	sshll.u32 s0, $0xA;
	s2 =	sadd.s32 s3, s2  }
0x8d: {  	s2 =	sadd.s32 s2, s17  }
0x8e: {  	[smem:$0x3FC6] =	sst s2  }
0x8f: {  	_ = 	snop  }
0x90: {  	s2 =	sld [smem:$0x3FD0];
	(tm) =	ssettm $0x1  }
0x91: {  	s18 =	sld [smem:$0x3FFB];
	_ =	sdelay $0x3  }
0x92: {  	_ =	strace s18  }
0x93: {  	s3 =	sld [smem:$0x3FFC];
	_ =	sdelay $0x3  }
0x94: {  	_ =	strace s3  }
0x95: {  	s3 =	sld [smem:$0x3FFD];
	_ =	sdelay $0x3  }
0x96: {  	_ =	strace s3  }
0x97: {  	_ =	strace $0x8FFFFFFF  }
0x98: {  	s19 =	sld [smem:$0x3FDB];
	_ =	sdelay $0x1  }
0x99: {  	s4 =	simm.s32 $_scs_section_size  }
0x9a: {  	s5 =	simm.s32 $_size__tile_overlayer_lowered;
	s6 =	simm.s32 $_tile_overlayer_lowered  }
0x9b: {  	s22 =	simm.s32 $0x1BFF;
	s21 =	sshll.u32 s6, $0x1;
	s3 =	sadd.s32 s4, s19  }
0x9c: {  	s7 =	simm.s32 $0x0;
	s20 =	sshll.u32 s5, $0x1;
	s5 =	sadd.s32 s21, s3  }
0x9d: {  	[timem:s7], [sflag:s22] =	dma.local [hbm:s5], s20  }
0x9e: {  	_ =	swait.ge [sflag:s22], s20  }
0x9f: {  	s4 =	ssub.s32 $0x0, s20;
	[sflag:s22] =	ssyncset.done $0x0  }
0xa0: {  	[sflag:s22] =	ssyncadd.s32 s4;
	_ =	sdelay $0x1  }
0xa1: {  	s23 =	simm.s32 $0x1B8B  }
0xa2: {  	_ =	swait.ge [sflag:s23], $0x1  }
0xa3: {  	[sflag:s23] =	ssyncset.done $0x0  }
0xa4: {  	s25 =	simm.s32 $0x1B8E;
	s24 =	sld [smem:$0x3FFE];
	[sflag:s23] =	ssyncadd.s32 $0xFFFFFFFF  }
0xa5: {  	s26 =	simm.s32 $execute0_lowered;
	[smem:$0x3FD2] =	sst s25  }
0xa6: {  	s5 =	sshll.u32 s26, $0x1;
	_ =	strace $0x80000046;
	[dreg:$0x1] =	wrdreg $0xFFFFFFFF  }
0xa7: {  	s28 =	simm.s32 $_size_execute0_lowered;
	s3 =	sadd.s32 s3, s5;
	[dreg:$0x0] =	wrdreg $0x0  }
0xa8: {  	s5 =	sshll.u32 s28, $0x1;
	[dreg:$0x2] =	wrdreg s3  }
0xa9: {  	[dreg:$0x3] =	wrdreg s5  }
0xaa: {  	[dreg:$0x4] =	wrdreg $0xC0  }
0xab: {  	_ =	task [dreg:s7], $0x5FFFF  }
0xac: {  	[dreg:$0x1] =	wrdreg $0xFFFFFFFF  }
0xad: {  	[dreg:$0x0] =	wrdreg $0x60  }
0xae: {  	[dreg:$0x2] =	wrdreg s24  }
0xaf: {  	[dreg:$0x3] =	wrdreg s2  }
0xb0: {  	[dreg:$0x4] =	wrdreg $0x9  }
0xb1: {  	_ =	task.clear_ibuf [dreg:s7], $0x5FFFF;
	_ =	strace $0x90000046  }
0xb2: {  	s29 =	simm.s32 $0x9;
	_ =	strace $0x80000048  }
0xb3: {  	_ =	swait.ge [sflag:s29], $0x1  }
0xb4: {  	[sflag:s29] =	ssyncadd.s32 $0xFFFFFFFF  }
0xb5: {  	_ =	strace $0x90000048  }
0xb6: {  	_ =	sfence  }
0xb7: {  	s30 =	sld [smem:$0x0];
	_ =	sdelay $0x2  }
0xb8: {  	s31 =	sshll.u32 s1, $0xD;
	s1 =	sshrl.u32 s1, $0x2  }
0xb9: {  	s3 =	sand.u32 $0x4000, s31;
	s1 =	sadd.s32 s1, s30  }
0xba: {  	s0 =	sor.u32 s3, s0;
	s1 =	sshll.u32 s1, $0x11  }
0xbb: {  	s0 =	sor.u32 s1, s0  }
0xbc: {  	s0 =	sadd.s32 $0x8F2B, s0  }
0xbd: {  	[sflag:s0] =	ssyncadd.remote.s32 $0x1  }
0xbe: {  	_ =	sfence.sel $0xFFFF  }
0xbf: {  	[dreg:$0x0] =	wrdreg $0xFFFFFFFF;
	(pc) =	sbr.abs _section_cstart, $3  }
0xc0: {  	[dreg:$0x1] =	wrdreg $0xFFFFFFFF  }
0xc1: {  	_ =	task.clear_ibuf [dreg:s7], $0x2FFFF;
	_ =	strace $0x9FFFFFFF  }
0xc2: {  	(tm) =	ssettm $0x7FFFFFFF  }
0xc3: {  	_ =	shalt  }
tec
execute0_lowered:
.L_overlay_start_1:
0x0: {  	(tag) =	ssettag $0x1  }
0x1: {  	s0 =	rddreg [dreg:$0x0]  }
0x2: {  	s8 =	rddreg [dreg:$0x1]  }
0x3: {  	s1 =	srdreg.scid;
	s6 =	stileid.u32  }
0x4: {  	s3 =	simm.s32 $0x0;
	s28 =	simm.s32 $0x7;
	s30 =	simm.s32 $0x8  }
0x5: {  	s1 =	sand.u32 $0x1, s1;
	s2 =	sshll.u32 s6, $0x1;
	s6 =	smul.u32 $0x320000, s6  }
0x6: {  	s2 =	sor.u32 s1, s2;
	s18 =	ssub.s32 $0x2, s1;
	s1 =	smul.u32 $0x190000, s1  }
0x7: {  	[smem:$0x7FF] =	sst s3;
	s4 =	sadd.s32 $0xF42E00, s0;
	s5 =	smul.u32 $0xC80, s2  }
0x8: {  	s31 =	simm.s32 $0x10;
	_ =	strace $0x80000047;
	s2 =	smul.u32 $0x190000, s2  }
0x9: {  	s7 =	sshrl.u32 s18, $0x1;
	s1 =	sadd.s32 s1, s6;
	s0 =	sadd.s32 s5, s0  }
0xa: {  	s2 =	sshrl.u32 s2, $0x3;
	s5 =	ssub.s32 s18, s7;
	s21 =	sor.u32 $0xE000, s1  }
0xb: {  	s22 =	sor.u32 $0xC000, s1;
	s23 =	sor.u32 $0xA000, s1;
	s24 =	sor.u32 $0x8000, s1  }
0xc: {  	s25 =	sor.u32 $0x6000, s1;
	s26 =	sor.u32 $0x4000, s1;
	s29 =	sor.u32 $0x2000, s1  }
0xd: {  	s18 =	sshrl.u32 s1, $0x3;
	s1 =	simm.s32 $0x12400;
	s0 =	sadd.s32 $0xA00, s0  }
0xe: {  	s19 =	sadd.s32 s8, s2;
	s20 =	smax.u32 s5, $0x1;
	s11 =	sshrl.u32 s21, $0x3  }
0xf: {  	s12 =	sshrl.u32 s22, $0x3;
	s13 =	sshrl.u32 s23, $0x3;
	s14 =	sshrl.u32 s24, $0x3  }
0x10: {  	s15 =	sshrl.u32 s25, $0x3;
	s16 =	sshrl.u32 s26, $0x3;
	s17 =	sshrl.u32 s29, $0x3  }
.Ltmp0:
0x11: {  	s22 =	simm.s32 $0x14400;
	s23 =	simm.s32 $0x1;
	(pc) =	sbr.rel .LBB2_1-.Ltmp0, $4  }
0x12: {  	s25 =	simm.s32 $0x3;
	s26 =	simm.s32 $0x5;
	[dreg:$0x3] =	wrdreg s0  }
0x13: {  	s2 =	simm.s32 $0x0;
	[dreg:$0x4] =	wrdreg s20;
	s7 =	sadd.s32 $0x30400, s19  }
0x14: {  	s8 =	sadd.s32 $0x30C00, s19;
	s9 =	sadd.s32 $0x31400, s19;
	s0 =	sadd.s32 $0x31C00, s19  }
0x15: {  	s20 =	simm.s32 $0x80;
	s19 =	simm.s32 $0xF;
	[dreg:$0x5] =	wrdreg s0  }
.LBB2_4:
0x16: {  	_ =	swait.ge [sflag:s30], $0x2000  }
0x17: {  	[sflag:s30] =	ssyncset.done $0x0  }
0x18: {  	s2 =	simm.s32 $0x9;
	s0 =	rddreg [dreg:$0x5];
	[sflag:s30] =	ssyncadd.s32 $0xFFFFE000  }
0x19: {  	[hbm4b:s0+s3] =	stream.linear.scatter [tilespmem:s22], [sflag:$0x10], $0x2000, $0x38;
	[tilespmem:$0x16400] =	vst v63  }
0x1a: {  	_ =	swait.ge [sflag:s2], $0x2000  }
0x1b: {  	[sflag:s2] =	ssyncset.done $0x0  }
0x1c: {  	s5 =	simm.s32 $0xA;
	[sflag:s2] =	ssyncadd.s32 $0xFFFFE000  }
0x1d: {  	_ =	swait.ge [sflag:s5], $0x2000  }
0x1e: {  	[sflag:s5] =	ssyncset.done $0x0  }
0x1f: {  	s6 =	simm.s32 $0xB;
	[sflag:s5] =	ssyncadd.s32 $0xFFFFE000  }
0x20: {  	_ =	swait.ge [sflag:s6], $0x2000  }
0x21: {  	[sflag:s6] =	ssyncset.done $0x0  }
0x22: {  	s10 =	simm.s32 $0xC;
	[sflag:s6] =	ssyncadd.s32 $0xFFFFE000  }
0x23: {  	_ =	swait.ge [sflag:s10], $0x2000  }
0x24: {  	[sflag:s10] =	ssyncset.done $0x0  }
0x25: {  	s21 =	simm.s32 $0xD;
	[sflag:s10] =	ssyncadd.s32 $0xFFFFE000  }
0x26: {  	_ =	swait.ge [sflag:s21], $0x2000  }
0x27: {  	[sflag:s21] =	ssyncset.done $0x0  }
0x28: {  	s24 =	simm.s32 $0xE;
	[sflag:s21] =	ssyncadd.s32 $0xFFFFE000  }
0x29: {  	_ =	swait.ge [sflag:s24], $0x2000  }
0x2a: {  	[sflag:s24] =	ssyncset.done $0x0  }
0x2b: {  	[sflag:s24] =	ssyncadd.s32 $0xFFFFE000  }
0x2c: {  	_ =	swait.ge [sflag:s19], $0x2000  }
0x2d: {  	[sflag:s19] =	ssyncset.done $0x0  }
0x2e: {  	[sflag:s19] =	ssyncadd.s32 $0xFFFFE000  }
0x2f: {  	_ =	swait.ge [sflag:s31], $0x2000  }
0x30: {  	s2 =	rddreg [dreg:$0x6]  }
0x31: {  	s29 =	rddreg [dreg:$0x4];
	s2 =	sadd.s32 $0x1, s2  }
0x32: {  	p0 =	sne.s32 s2, s29  }
.Ltmp1:
0x33: {  	_ = 	snop;
	(pc) =	sbr.rel @!p0 .LBB2_5-.Ltmp1, $3  }
0x34: {  	_ =	sdelay $0x1  }
0x35: {  	[sflag:s31] =	ssyncset.done $0x0  }
0x36: {  	[sflag:s31] =	ssyncadd.s32 $0xFFFFE000  }
.LBB2_1:
0x37: {  	[dreg:$0x6] =	wrdreg s2  }
0x38: {  	s0 =	rddreg [dreg:$0x3];
	s2 =	simm.s32 $0x11  }
0x39: {  	[tilespmem:s3], [sflag:$0x11] =	stream.linear.gather [hbm4b:s0+s3], $0x6400, $0x38;
	[tilespmem:$0x16400] =	vst v63  }
0x3a: {  	_ =	swait.ge [sflag:s2], $0x6400  }
0x3b: {  	[sflag:s2] =	ssyncset.done $0x0  }
0x3c: {  	s5 =	simm.s32 $0x6400;
	[sflag:s2] =	ssyncadd.s32 $0xFFFF9C00  }
0x3d: {  	[tilespmem:s5], [sflag:$0x1] =	stream.indirect.gather [hbm4b:s4+s20], $0x40, s3, s20, $0xb8;
	[tilespmem:$0x16400] =	vst v63  }
0x3e: {  	s6 =	simm.s32 $0x8400  }
0x3f: {  	[tilespmem:s6], [sflag:$0x2] =	stream.indirect.gather [hbm4b:s4+s20], $0x40, s20, s20, $0xb8;
	[tilespmem:$0x16400] =	vst v63  }
0x40: {  	s10 =	simm.s32 $0x100;
	s21 =	simm.s32 $0xA400  }
0x41: {  	[tilespmem:s21], [sflag:$0x3] =	stream.indirect.gather [hbm4b:s4+s20], $0x40, s10, s20, $0xb8;
	[tilespmem:$0x16400] =	vst v63  }
0x42: {  	s24 =	simm.s32 $0x180;
	s29 =	simm.s32 $0xC400  }
0x43: {  	[tilespmem:s29], [sflag:$0x4] =	stream.indirect.gather [hbm4b:s4+s20], $0x40, s24, s20, $0xb8;
	[tilespmem:$0x16400] =	vst v63  }
0x44: {  	s5 =	simm.s32 $0x200;
	s6 =	simm.s32 $0xE400  }
0x45: {  	[tilespmem:s6], [sflag:$0x5] =	stream.indirect.gather [hbm4b:s4+s20], $0x40, s5, s20, $0xb8;
	[tilespmem:$0x16400] =	vst v63  }
0x46: {  	s10 =	simm.s32 $0x280;
	s21 =	simm.s32 $0x10400  }
0x47: {  	[tilespmem:s21], [sflag:$0x6] =	stream.indirect.gather [hbm4b:s4+s20], $0x40, s10, s20, $0xb8;
	[tilespmem:$0x16400] =	vst v63  }
0x48: {  	s24 =	simm.s32 $0x300  }
0x49: {  	[tilespmem:s1], [sflag:$0x7] =	stream.indirect.gather [hbm4b:s4+s20], $0x40, s24, s20, $0xb8;
	[tilespmem:$0x16400] =	vst v63  }
0x4a: {  	s2 =	rddreg [dreg:$0x1];
	s29 =	simm.s32 $0x380;
	s5 =	simm.s32 $0x0  }
0x4b: {  	[tilespmem:s22], [sflag:$0x8] =	stream.indirect.gather [hbm4b:s4+s20], $0x40, s29, s20, $0xb8;
	[tilespmem:$0x16400] =	vst v63  }
.LBB2_2:
0x4c: {  	_ =	swait.ge [sflag:s23], $0x2000  }
0x4d: {  	s0 =	sadd.s32 s2, s18;
	[sflag:s23] =	ssyncset.done $0x0  }
0x4e: {  	s6 =	simm.s32 $0x6400;
	p0 =	seq.s32 s5, $0x18000;
	[sflag:s23] =	ssyncadd.s32 $0xFFFFE000  }
0x4f: {  	[hbm4b:s0+s3] =	stream.linear.scatter [tilespmem:s6], [sflag:$0x9], $0x2000, $0x38;
	[tilespmem:$0x16400] =	vst v63  }
0x50: {  	s0 =	simm.s32 @p0 $0x2  }
0x51: {  	_ =	swait.ge @p0 [sflag:s0], $0x2000  }
0x52: {  	[sflag:s0] =	ssyncset.done @p0 $0x0  }
0x53: {  	s6 =	simm.s32 @p0 $0x8400;
	[sflag:s0] =	ssyncadd.s32 @p0 $0xFFFFE000;
	s0 =	simm.s32 @p0 $0x0  }
0x54: {  	[hbm4b:s7+s0] =	stream.linear.scatter @p0 [tilespmem:s6], [sflag:$0xA], $0x2000, $0x38;
	[tilespmem:$0x16400] =	vst v63  }
0x55: {  	s6 =	simm.s32 @!p0 $0x9  }
0x56: {  	_ =	swait.ge @!p0 [sflag:s6], $0x2000  }
0x57: {  	[sflag:s6] =	ssyncset.done @!p0 $0x0  }
0x58: {  	[sflag:s6] =	ssyncadd.s32 @!p0 $0xFFFFE000;
	s6 =	sshra.s32 @!p0 s5, $0x2  }
0x59: {  	s10 =	simm.s32 @!p0 $0x80;
	s24 =	simm.s32 @!p0 $0x6400;
	s21 =	sadd.s32 @!p0 $0x400, s6  }
0x5a: {  	[tilespmem:s24], [sflag:$0x1] =	stream.indirect.gather @!p0 [hbm4b:s4+s10], $0x40, s21, s10, $0xb8;
	[tilespmem:$0x16400] =	vst v63  }
0x5b: {  	s21 =	simm.s32 @!p0 $0x2  }
0x5c: {  	_ =	swait.ge @!p0 [sflag:s21], $0x2000  }
0x5d: {  	s29 =	simm.s32 @!p0 $0x8400;
	[sflag:s21] =	ssyncset.done @!p0 $0x0  }
0x5e: {  	s24 =	sadd.s32 @!p0 s2, s17;
	[sflag:s21] =	ssyncadd.s32 @!p0 $0xFFFFE000;
	s21 =	simm.s32 @!p0 $0x0  }
0x5f: {  	[hbm4b:s24+s21] =	stream.linear.scatter @!p0 [tilespmem:s29], [sflag:$0xA], $0x2000, $0x38;
	[tilespmem:$0x16400] =	vst v63  }
0x60: {  	s24 =	simm.s32 @!p0 $0xA  }
0x61: {  	_ =	swait.ge @!p0 [sflag:s24], $0x2000  }
0x62: {  	[sflag:s24] =	ssyncset.done @!p0 $0x0  }
0x63: {  	[sflag:s24] =	ssyncadd.s32 @!p0 $0xFFFFE000;
	s24 =	sadd.s32 @!p0 $0x480, s6  }
0x64: {  	[tilespmem:s29], [sflag:$0x2] =	stream.indirect.gather @!p0 [hbm4b:s4+s10], $0x40, s24, s10, $0xb8;
	[tilespmem:$0x16400] =	vst v63  }
0x65: {  	_ =	swait.ge [sflag:s25], $0x2000  }
0x66: {  	[sflag:s25] =	ssyncset.done $0x0  }
0x67: {  	s24 =	sadd.s32 s2, s16;
	s29 =	simm.s32 $0xA400;
	[sflag:s25] =	ssyncadd.s32 $0xFFFFE000  }
0x68: {  	[hbm4b:s24+s3] =	stream.linear.scatter [tilespmem:s29], [sflag:$0xB], $0x2000, $0x38;
	[tilespmem:$0x16400] =	vst v63  }
0x69: {  	s24 =	simm.s32 @p0 $0x4  }
0x6a: {  	_ =	swait.ge @p0 [sflag:s24], $0x2000  }
0x6b: {  	[sflag:s24] =	ssyncset.done @p0 $0x0  }
0x6c: {  	[sflag:s24] =	ssyncadd.s32 @p0 $0xFFFFE000;
	s24 =	simm.s32 @p0 $0xC400  }
0x6d: {  	[hbm4b:s8+s0] =	stream.linear.scatter @p0 [tilespmem:s24], [sflag:$0xC], $0x2000, $0x38;
	[tilespmem:$0x16400] =	vst v63  }
0x6e: {  	s24 =	simm.s32 @!p0 $0xB  }
0x6f: {  	_ =	swait.ge @!p0 [sflag:s24], $0x2000  }
0x70: {  	[sflag:s24] =	ssyncset.done @!p0 $0x0  }
0x71: {  	s29 =	simm.s32 @!p0 $0xA400;
	[sflag:s24] =	ssyncadd.s32 @!p0 $0xFFFFE000;
	s24 =	sadd.s32 @!p0 $0x500, s6  }
0x72: {  	[tilespmem:s29], [sflag:$0x3] =	stream.indirect.gather @!p0 [hbm4b:s4+s10], $0x40, s24, s10, $0xb8;
	[tilespmem:$0x16400] =	vst v63  }
0x73: {  	s24 =	simm.s32 @!p0 $0x4  }
0x74: {  	_ =	swait.ge @!p0 [sflag:s24], $0x2000  }
0x75: {  	[sflag:s24] =	ssyncset.done @!p0 $0x0  }
0x76: {  	s29 =	simm.s32 @!p0 $0xC400;
	[sflag:s24] =	ssyncadd.s32 @!p0 $0xFFFFE000;
	s24 =	sadd.s32 @!p0 s2, s15  }
0x77: {  	[hbm4b:s24+s21] =	stream.linear.scatter @!p0 [tilespmem:s29], [sflag:$0xC], $0x2000, $0x38;
	[tilespmem:$0x16400] =	vst v63  }
0x78: {  	s24 =	simm.s32 @!p0 $0xC  }
0x79: {  	_ =	swait.ge @!p0 [sflag:s24], $0x2000  }
0x7a: {  	[sflag:s24] =	ssyncset.done @!p0 $0x0  }
0x7b: {  	[sflag:s24] =	ssyncadd.s32 @!p0 $0xFFFFE000;
	s24 =	sadd.s32 @!p0 $0x580, s6  }
0x7c: {  	[tilespmem:s29], [sflag:$0x4] =	stream.indirect.gather @!p0 [hbm4b:s4+s10], $0x40, s24, s10, $0xb8;
	[tilespmem:$0x16400] =	vst v63  }
0x7d: {  	_ =	swait.ge [sflag:s26], $0x2000  }
0x7e: {  	[sflag:s26] =	ssyncset.done $0x0  }
0x7f: {  	s24 =	sadd.s32 s2, s14;
	s29 =	simm.s32 $0xE400;
	[sflag:s26] =	ssyncadd.s32 $0xFFFFE000  }
0x80: {  	[hbm4b:s24+s3] =	stream.linear.scatter [tilespmem:s29], [sflag:$0xD], $0x2000, $0x38;
	[tilespmem:$0x16400] =	vst v63  }
0x81: {  	s24 =	simm.s32 @p0 $0x6  }
0x82: {  	_ =	swait.ge @p0 [sflag:s24], $0x2000  }
0x83: {  	[sflag:s24] =	ssyncset.done @p0 $0x0  }
0x84: {  	[sflag:s24] =	ssyncadd.s32 @p0 $0xFFFFE000;
	s24 =	simm.s32 @p0 $0x10400  }
0x85: {  	[hbm4b:s9+s0] =	stream.linear.scatter @p0 [tilespmem:s24], [sflag:$0xE], $0x2000, $0x38;
	[tilespmem:$0x16400] =	vst v63  }
0x86: {  	s0 =	simm.s32 @!p0 $0xD  }
0x87: {  	_ =	swait.ge @!p0 [sflag:s0], $0x2000  }
0x88: {  	[sflag:s0] =	ssyncset.done @!p0 $0x0  }
0x89: {  	s24 =	simm.s32 @!p0 $0xE400;
	[sflag:s0] =	ssyncadd.s32 @!p0 $0xFFFFE000;
	s0 =	sadd.s32 @!p0 $0x600, s6  }
0x8a: {  	[tilespmem:s24], [sflag:$0x5] =	stream.indirect.gather @!p0 [hbm4b:s4+s10], $0x40, s0, s10, $0xb8;
	[tilespmem:$0x16400] =	vst v63  }
0x8b: {  	s0 =	simm.s32 @!p0 $0x6  }
0x8c: {  	_ =	swait.ge @!p0 [sflag:s0], $0x2000  }
0x8d: {  	[sflag:s0] =	ssyncset.done @!p0 $0x0  }
0x8e: {  	s24 =	simm.s32 @!p0 $0x10400;
	[sflag:s0] =	ssyncadd.s32 @!p0 $0xFFFFE000;
	s0 =	sadd.s32 @!p0 s2, s13  }
0x8f: {  	[hbm4b:s0+s21] =	stream.linear.scatter @!p0 [tilespmem:s24], [sflag:$0xE], $0x2000, $0x38;
	[tilespmem:$0x16400] =	vst v63  }
0x90: {  	s0 =	simm.s32 @!p0 $0xE  }
0x91: {  	_ =	swait.ge @!p0 [sflag:s0], $0x2000  }
0x92: {  	[sflag:s0] =	ssyncset.done @!p0 $0x0  }
0x93: {  	[sflag:s0] =	ssyncadd.s32 @!p0 $0xFFFFE000;
	s0 =	sadd.s32 @!p0 $0x680, s6  }
0x94: {  	[tilespmem:s24], [sflag:$0x6] =	stream.indirect.gather @!p0 [hbm4b:s4+s10], $0x40, s0, s10, $0xb8;
	[tilespmem:$0x16400] =	vst v63  }
.Ltmp2:
0x95: {  	_ = 	snop;
	(pc) =	sbr.rel @p0 .LBB2_4-.Ltmp2, $4  }
0x96: {  	_ =	swait.ge [sflag:s28], $0x2000  }
0x97: {  	[sflag:s28] =	ssyncset.done $0x0  }
0x98: {  	s29 =	sadd.s32 s2, s12;
	[sflag:s28] =	ssyncadd.s32 $0xFFFFE000  }
0x99: {  	[hbm4b:s29+s3] =	stream.linear.scatter [tilespmem:s1], [sflag:$0xF], $0x2000, $0x38;
	[tilespmem:$0x16400] =	vst v63  }
0x9a: {  	_ =	swait.ge [sflag:s19], $0x2000  }
0x9b: {  	s0 =	sshra.s32 s5, $0x2;
	[sflag:s19] =	ssyncset.done $0x0  }
0x9c: {  	s6 =	sadd.s32 $0x700, s0;
	[sflag:s19] =	ssyncadd.s32 $0xFFFFE000  }
0x9d: {  	[tilespmem:s1], [sflag:$0x7] =	stream.indirect.gather [hbm4b:s4+s20], $0x40, s6, s20, $0xb8;
	[tilespmem:$0x16400] =	vst v63  }
0x9e: {  	_ =	swait.ge [sflag:s30], $0x2000  }
0x9f: {  	[sflag:s30] =	ssyncset.done $0x0  }
0xa0: {  	s29 =	sadd.s32 s2, s11;
	[sflag:s30] =	ssyncadd.s32 $0xFFFFE000  }
0xa1: {  	[hbm4b:s29+s3] =	stream.linear.scatter [tilespmem:s22], [sflag:$0x10], $0x2000, $0x38;
	[tilespmem:$0x16400] =	vst v63  }
.Ltmp3:
0xa2: {  	_ = 	snop;
	(pc) =	sbr.rel .LBB2_2-.Ltmp3, $4  }
0xa3: {  	_ =	swait.ge [sflag:s31], $0x2000  }
0xa4: {  	s5 =	sadd.s32 $0x1000, s5;
	[sflag:s31] =	ssyncset.done $0x0  }
0xa5: {  	s2 =	sadd.s32 $0x2000, s2;
	s0 =	sadd.s32 $0x780, s0;
	[sflag:s31] =	ssyncadd.s32 $0xFFFFE000  }
0xa6: {  	[tilespmem:s22], [sflag:$0x8] =	stream.indirect.gather [hbm4b:s4+s20], $0x40, s0, s20, $0xb8;
	[tilespmem:$0x16400] =	vst v63  }
.LBB2_5:
0xa7: {  	_ =	sfence.sel $0x180000  }
0xa8: {  	[bflag:$0x0] =	sbarrier.arrive $0xFFFF  }
0xa9: {  	_ =	strace $0x90000047  }
0xaa: {  	s0 =	stileid.u32;
	[bflag:$0x2] =	sbarrier.arrive $0xFFFF  }
0xab: {  	p0 =	sne.s32 s0, $0x0;
	s0 =	rddreg [dreg:$0x2]  }
0xac: {  	s0 =	sadd.s32 @!p0 $0x100000, s0  }
0xad: {  	[sflag:s0] =	ssyncadd.tile.s32 @!p0 $0x1;
	_ =	shalt  }
.Lfunc_end2:
_tile_overlayer_lowered:
.L_overlay_start_2:
0xae: {  	(tag) =	ssettag $0x2  }
0xaf: {  	s0 =	rddreg [dreg:$0x0];
	s2 =	stileid.u32  }
0xb0: {  	s1 =	rddreg [dreg:$0x1];
	p0 =	sne.s32 s2, $0x0  }
0xb1: {  	s3 =	rddreg [dreg:$0x2];
	[bflag:$0x3] =	sbarrier.arrive $0xFFFF;
	s2 =	simm.s32 @!p0 $0x1C11  }
0xb2: {  	[timem:s3], [sflag:s2] =	dma.local @!p0 [hbm:s0], s1  }
0xb3: {  	s0 =	simm.s32 @!p0 $0x11  }
0xb4: {  	_ =	swait.ge @!p0 [sflag:s0], s1  }
0xb5: {  	s1 =	ssub.s32 @!p0 $0x0, s1;
	[sflag:s0] =	ssyncset.done @!p0 $0x0  }
0xb6: {  	[sflag:s0] =	ssyncadd.s32 @!p0 s1  }
0xb7: {  	[bflag:$0x3] =	sbarrier.arrive $0xFFFF  }
0xb8: {  	_ =	shalt  }

// kernel: sparse-core-data-format-call.cloned.1.call-start
scs
called_computation_lowered:
.L_overlay_start_0:
0x0: {  	s2 =	sld [smem:$0x3FD9]  }
0x1: {  	s3 =	sld [smem:$0x3FFE];
	_ =	sdelay $0x1  }
0x2: {  	s1 =	srdreg.scid  }
0x3: {  	s0 =	sand.u32 $0x1, s1  }
0x4: {  	s18 =	sshll.u32 s0, $0xA;
	s2 =	sadd.s32 s3, s2  }
0x5: {  	s2 =	sadd.s32 s2, s18  }
0x6: {  	[smem:$0x3FC6] =	sst s2  }
0x7: {  	_ = 	snop  }
0x8: {  	s2 =	sld [smem:$0x3FD0];
	(tm) =	ssettm $0x1  }
0x9: {  	s19 =	sld [smem:$0x3FFB];
	_ =	sdelay $0x3  }
0xa: {  	_ =	strace s19  }
0xb: {  	s3 =	sld [smem:$0x3FFC];
	_ =	sdelay $0x3  }
0xc: {  	_ =	strace s3  }
0xd: {  	s3 =	sld [smem:$0x3FFD];
	_ =	sdelay $0x3  }
0xe: {  	_ =	strace s3  }
0xf: {  	_ =	strace $0x8FFFFFFF  }
0x10: {  	s20 =	sld [smem:$0x3FDB];
	_ =	sdelay $0x1  }
0x11: {  	s4 =	simm.s32 $_scs_section_size  }
0x12: {  	s5 =	simm.s32 $_size__tile_overlayer_lowered;
	s6 =	simm.s32 $_tile_overlayer_lowered  }
0x13: {  	s23 =	simm.s32 $0x1BFF;
	s22 =	sshll.u32 s6, $0x1;
	s3 =	sadd.s32 s4, s20  }
0x14: {  	s7 =	simm.s32 $0x0;
	s21 =	sshll.u32 s5, $0x1;
	s5 =	sadd.s32 s22, s3  }
0x15: {  	[timem:s7], [sflag:s23] =	dma.local [hbm:s5], s21  }
0x16: {  	_ =	swait.ge [sflag:s23], s21  }
0x17: {  	s4 =	ssub.s32 $0x0, s21;
	[sflag:s23] =	ssyncset.done $0x0  }
0x18: {  	[sflag:s23] =	ssyncadd.s32 s4;
	_ =	sdelay $0x1  }
0x19: {  	s24 =	simm.s32 $0x1B8B  }
0x1a: {  	_ =	swait.ge [sflag:s24], $0x1  }
0x1b: {  	[sflag:s24] =	ssyncset.done $0x0  }
0x1c: {  	s26 =	simm.s32 $0x1B8E;
	s25 =	sld [smem:$0x3FFE];
	[sflag:s24] =	ssyncadd.s32 $0xFFFFFFFF  }
0x1d: {  	s27 =	simm.s32 $execute0_lowered;
	[smem:$0x3FD2] =	sst s26  }
0x1e: {  	s5 =	sshll.u32 s27, $0x1;
	_ =	strace $0x80000049;
	[dreg:$0x1] =	wrdreg $0xFFFFFFFF  }
0x1f: {  	s28 =	simm.s32 $_size_execute0_lowered;
	s3 =	sadd.s32 s3, s5;
	[dreg:$0x0] =	wrdreg $0x0  }
0x20: {  	s5 =	sshll.u32 s28, $0x1;
	[dreg:$0x2] =	wrdreg s3  }
0x21: {  	[dreg:$0x3] =	wrdreg s5  }
0x22: {  	[dreg:$0x4] =	wrdreg $0xC0  }
0x23: {  	_ =	task [dreg:s7], $0x5FFFF  }
0x24: {  	[dreg:$0x1] =	wrdreg $0xFFFFFFFF  }
0x25: {  	[dreg:$0x0] =	wrdreg $0x60  }
0x26: {  	[dreg:$0x2] =	wrdreg s25  }
0x27: {  	[dreg:$0x3] =	wrdreg s2  }
0x28: {  	[dreg:$0x4] =	wrdreg $0x9  }
0x29: {  	_ =	task.clear_ibuf [dreg:s7], $0x5FFFF;
	_ =	strace $0x90000049  }
0x2a: {  	s29 =	simm.s32 $0x9;
	_ =	strace $0x8000004B  }
0x2b: {  	_ =	swait.ge [sflag:s29], $0x1  }
0x2c: {  	[sflag:s29] =	ssyncadd.s32 $0xFFFFFFFF  }
0x2d: {  	_ =	strace $0x9000004B  }
0x2e: {  	_ =	sfence  }
0x2f: {  	s30 =	sld [smem:$0x0];
	_ =	sdelay $0x2  }
0x30: {  	s31 =	sshll.u32 s1, $0xD;
	s1 =	sshrl.u32 s1, $0x2  }
0x31: {  	s3 =	sand.u32 $0x4000, s31;
	s1 =	sadd.s32 s1, s30  }
0x32: {  	s0 =	sor.u32 s3, s0;
	s1 =	sshll.u32 s1, $0x11  }
0x33: {  	s0 =	sor.u32 s1, s0  }
0x34: {  	s0 =	sadd.s32 $0x8F2B, s0  }
0x35: {  	[sflag:s0] =	ssyncadd.remote.s32 $0x1  }
0x36: {  	_ =	sfence.sel $0xFFFF  }
0x37: {  	[dreg:$0x0] =	wrdreg $0xFFFFFFFF;
	(pc) =	sbr.abs _section_cstart, $3  }
0x38: {  	[dreg:$0x1] =	wrdreg $0xFFFFFFFF  }
0x39: {  	_ =	task.clear_ibuf [dreg:s7], $0x2FFFF;
	_ =	strace $0x9FFFFFFF  }
0x3a: {  	(tm) =	ssettm $0x7FFFFFFF  }
0x3b: {  	_ =	shalt  }
tec
execute0_lowered:
.L_overlay_start_1:
0x0: {  	(tag) =	ssettag $0x1  }
0x1: {  	s0 =	srdreg.scid  }
0x2: {  	s1 =	sshll.u32 s0, $0x4  }
0x3: {  	s0 =	stileid.u32;
	s1 =	sand.u32 $0x10, s1  }
0x4: {  	s1 =	sor.u32 s0, s1  }
0x5: {  	s6 =	rddreg [dreg:$0x0];
	s4 =	simm.s32 $0x1;
	s2 =	sshll.u32 s1, $0x7  }
0x6: {  	s7 =	simm.s32 $0x2;
	s12 =	simm.s32 $0x0;
	s1 =	ssub.s32 $0x4000, s2  }
0x7: {  	s8 =	simm.s32 $0x20000;
	s13 =	simm.s32 $0x0;
	s3 =	sand.u32 $0xF80, s1  }
0x8: {  	s9 =	simm.s32 $0x0;
	s5 =	sshrl.u32 s1, $0xC;
	p0 =	sne.s32 s3, $0x0  }
.Ltmp0:
0x9: {  	s1 =	rddreg [dreg:$0x2];
	s4 =	simm.s32 @!p0 $0x0;
	(pc) =	sbr.rel .LBB1_1-.Ltmp0, $4  }
0xa: {  	s11 =	simm.s32 $0x0;
	s3 =	rddreg [dreg:$0x1];
	s5 =	sadd.s32 s4, s5  }
0xb: {  	_ =	strace $0x8000004A;
	s4 =	simm.s32 $0x1;
	s5 =	smul.u32 $0x32, s5  }
0xc: {  	s6 =	sadd.s32 $0xA00, s6;
	s10 =	smov.u32 s2;
	[sflag:s4] =	ssyncpa.u1 $0x0  }
0xd: {  	p0 =	por $0x0, $0x0;
	[sflag:s7] =	ssyncpa.u1 $0x0;
	s7 =	sor.u32 $0x1, s5  }
.LBB1_4:
0xe: {  	s16 =	sshll.u32 s13, $0x3;
	s17 =	sand.u32 $0x78, s13  }
0xf: {  	s30 =	sand.u32 $0x1F800, s13;
	s12 =	sshll.u32 s12, $0x11;
	s16 =	sand.u32 $0x3C00, s16  }
0x10: {  	[tilespmem:s15+$0x810 ss:$0x81] =	vst.msk $0xffff, v2;
	s31 =	sand.u32 $0x7, s13;
	s16 =	sor.u32 s17, s16;
	s17 =	sadd.s32 s3, s30  }
0x11: {  	[tilespmem:s15+$0x1020 ss:$0x81] =	vst.msk $0xffff, v0;
	s13 =	sshll.u32 s31, $0x12;
	s12 =	sadd.s32 s12, s17;
	s16 =	sshrl.u32 s16, $0x3  }
0x12: {  	[tilespmem:s15+$0x0 ss:$0x81] =	vst.msk $0xffff, v1;
	s13 =	sor.u32 $0x400, s13;
	s12 =	sadd.s32 s16, s12  }
0x13: {  	[hbm4b:s12+s13] =	stream.strided.scatter [tilespmem:s14], [sflag:$0x2], $0x2000, s8, s13, $0x20;
	[tilespmem:$0x8080] =	vst v63  }
.LBB1_5:
0x14: {  	s14 =	sadd.s32 $0x1, s9  }
0x15: {  	s12 =	sadd.s32 $0x1000, s10;
	s16 =	smov.u32 s10;
	p2 =	sgt.s32 s14, $0x31  }
0x16: {  	s16 =	smov.u32 @p2 s12  }
0x17: {  	s14 =	simm.s32 @p2 $0x0;
	p2 =	sgt.s32 s16, $0x3FFF  }
0x18: {  	s16 =	smov.u32 @p2 s2;
	p2 =	sne.s32 s11, s7  }
.Ltmp1:
0x19: {  	p1 =	slt.u32 s11, $0x2;
	(pc) =	sbr.rel @!p2 .LBB1_6-.Ltmp1, $4  }
0x1a: {  	s15 =	simm.s32 @!p1 $0x2  }
0x1b: {  	s13 =	smov.u32 s10;
	p0 =	por !p0, !p0;
	_ =	swait.ge @!p1 [sflag:s15], $0x2000  }
0x1c: {  	s12 =	smov.u32 s9;
	[sflag:s15] =	ssyncset.done @!p1 $0x0;
	s9 =	smov.u32 s14  }
0x1d: {  	s11 =	sadd.s32 $0x1, s11;
	[sflag:s15] =	ssyncadd.s32 @!p1 $0xFFFFE000;
	s10 =	smov.u32 s16  }
.LBB1_1:
0x1e: {  	p1 =	sge.u32 s11, s5  }
0x1f: {  	s14 =	sand.u32 @!p1 $0x1FFFFFF, s9  }
0x20: {  	s15 =	smulhi.u32 @!p1 $0x4924925, s14;
	_ =	sdelay $0x1  }
0x21: {  	s15 =	smul.u32 @!p1 $0x38, s15  }
0x22: {  	s16 =	sxor.u32 @!p1 $0xFFFFFFFF, s11;
	s17 =	smul.u32 @!p1 $0x380, s10  }
0x23: {  	s31 =	sadd.s32 $0xFFFFFFFF, s11;
	s16 =	sshll.u32 @!p1 s16, $0xD;
	s14 =	ssub.s32 @!p1 s14, s15  }
0x24: {  	s15 =	sand.u32 @!p1 $0x2000, s16;
	s16 =	sadd.s32 @!p1 s6, s17;
	s14 =	sshll.u32 @!p1 s14, $0x4  }
0x25: {  	s17 =	simm.s32 @!p1 $0x1C00;
	s14 =	sadd.s32 @!p1 s14, s16;
	s16 =	simm.s32 @!p1 $0x40  }
0x26: {  	[tilespmem:s15], [sflag:$0x1] =	stream.strided.gather @!p1 [hbm4b:s14+s16], $0x2000, s17, s16, $0x38;
	[tilespmem:$0x8080] =	vst v63  }
0x27: {  	p1 =	sge.u32 s31, s5  }
.Ltmp2:
0x28: {  	_ = 	snop;
	(pc) =	sbr.rel @p1 .LBB1_5-.Ltmp2, $1  }
0x29: {  	_ =	sdelay $0x3  }
0x2a: {  	s14 =	simm.s32 $0x1  }
0x2b: {  	_ =	swait.ge [sflag:s4], $0x2000;
	s14 =	simm.s32 @!p0 $0x0  }
0x2c: {  	[sflag:s4] =	ssyncset.done $0x0;
	s15 =	sshll.u32 s14, $0xD  }
0x2d: {  	[sflag:s4] =	ssyncadd.s32 $0xFFFFE000;
	s18 =	sor.u32 $0x20, s15  }
0x2e: {  	s14 =	smul.u32 $0x8100, s14;
	v3 =	vld [tilespmem:s18+$0x10]  }
0x2f: {  	s30 =	sand.u32 $0x1, s11;
	v2 =	vld [tilespmem:s18+$0xFFFFFFF0]  }
0x30: {  	s15 =	smul.u32 $0x8100, s30;
	s14 =	sshrl.u32 s14, $0x2;
	v0 =	vld [tilespmem:s18+$0x0]  }
0x31: {  	v1 =	vld [tilespmem:s18+$0xFFFFFFE0];
	s16 =	sor.u32 $0x4000, s14  }
0x32: {  	s31 =	sshrl.u32 s15, $0x2;
	s15 =	sadd.s32 $0x0, s16  }
0x33: {  	s17 =	simm.s32 $0x4;
	s18 =	sadd.s32 $0x40, s18;
	s14 =	sor.u32 $0x4000, s31;
	[tilespmem:s15+$0x1830 ss:$0x81] =	vst.msk $0xffff, v3  }
.LBB1_3:
0x34: {  	v3 =	vld [tilespmem:s18+$0x10];
	p1 =	sne.s32 s17, $0x1FC;
	[tilespmem:s15+$0x810 ss:$0x81] =	vst.msk $0xffff, v2;
	s19 =	smov.u32 s17;
	s17 =	sadd.s32 $0x4, s17  }
.Ltmp3:
0x35: {  	v2 =	vld [tilespmem:s18+$0xFFFFFFF0];
	[tilespmem:s15+$0x1020 ss:$0x81] =	vst.msk $0xffff, v0;
	(pc) =	sbr.rel @p1 .LBB1_3-.Ltmp3, $4  }
0x36: {  	v0 =	vld [tilespmem:s18+$0x0];
	[tilespmem:s15+$0x0 ss:$0x81] =	vst.msk $0xffff, v1  }
0x37: {  	s15 =	sshra.s32 s19, $0x2;
	v1 =	vld [tilespmem:s18+$0xFFFFFFE0]  }
0x38: {  	s15 =	sadd.s32 s15, s16  }
0x39: {  	s18 =	sadd.s32 $0x40, s18;
	[tilespmem:s15+$0x1830 ss:$0x81] =	vst.msk $0xffff, v3  }
.Ltmp4:
0x3a: {  	_ = 	snop;
	(pc) =	sbr.rel .LBB1_4-.Ltmp4, $1  }
0x3b: {  	_ =	sdelay $0x3  }
.LBB1_6:
0x3c: {  	_ =	sfence.sel $0x180000  }
0x3d: {  	s2 =	simm.s32 $0x1;
	[bflag:$0x0] =	sbarrier.arrive $0xFFFF  }
0x3e: {  	s31 =	simm.s32 $0x2;
	[sflag:s2] =	ssyncpa.u1 $0x1  }
0x3f: {  	[sflag:s31] =	ssyncpa.u1 $0x1  }
0x40: {  	p0 =	sne.s32 s0, $0x0;
	_ =	strace $0x9000004A  }
0x41: {  	s0 =	sadd.s32 @!p0 $0x100000, s1;
	[bflag:$0x2] =	sbarrier.arrive $0xFFFF  }
0x42: {  	[sflag:s0] =	ssyncadd.tile.s32 @!p0 $0x1;
	_ =	shalt  }
.Lfunc_end1:
_tile_overlayer_lowered:
.L_overlay_start_2:
0x43: {  	(tag) =	ssettag $0x2  }
0x44: {  	s0 =	rddreg [dreg:$0x0];
	s2 =	stileid.u32  }
0x45: {  	s1 =	rddreg [dreg:$0x1];
	p0 =	sne.s32 s2, $0x0  }
0x46: {  	s3 =	rddreg [dreg:$0x2];
	[bflag:$0x3] =	sbarrier.arrive $0xFFFF;
	s2 =	simm.s32 @!p0 $0x1C01  }
0x47: {  	[timem:s3], [sflag:s2] =	dma.local @!p0 [hbm:s0], s1  }
0x48: {  	s0 =	simm.s32 @!p0 $0x1  }
0x49: {  	_ =	swait.ge @!p0 [sflag:s0], s1  }
0x4a: {  	s1 =	ssub.s32 @!p0 $0x0, s1;
	[sflag:s0] =	ssyncset.done @!p0 $0x0  }
0x4b: {  	[sflag:s0] =	ssyncadd.s32 @!p0 s1  }
0x4c: {  	[bflag:$0x3] =	sbarrier.arrive $0xFFFF  }
0x4d: {  	_ =	shalt  }

</sc_bundles>
